<compile_context>
chip_gen: v7x
topology: tpu7x:2x2x1
jax: 0.10.2.dev20260603
libtpu: 0.0.44.dev20260713+nightly
codegen_flags: <defaults>
</compile_context>

<pallas_src>
import functools

import jax
import jax.numpy as jnp
from jax import lax
from jax.experimental import pallas as pl
from jax.experimental.pallas import tpu as pltpu
from jax.experimental.pallas import tpu_sc as plsc

NC = 2
NS = 16
NW = NC * NS
LANES = 16
UNROLL = 25
BLKM = 2048


def _phase1(num_blocks, chunk, atom_blk, mpad):
    mesh = plsc.VectorSubcoreMesh(core_axis_name="c", subcore_axis_name="s")
    stride = atom_blk // LANES
    inner_iters = stride // UNROLL
    assert stride % 2 == 1 and stride % UNROLL == 0
    assert num_blocks % 2 == 0 and num_blocks >= 4

    @functools.partial(
        pl.kernel,
        mesh=mesh,
        compiler_params=pltpu.CompilerParams(needs_layout_passes=False),
        out_type=jax.ShapeDtypeStruct((NW, mpad), jnp.float32),
        scratch_types=[
            pltpu.VMEM((LANES,), jnp.float32),
            pltpu.VMEM((atom_blk,), jnp.int32),
            pltpu.VMEM((atom_blk,), jnp.int32),
            pltpu.VMEM((atom_blk,), jnp.int32),
            pltpu.VMEM((atom_blk,), jnp.int32),
            pltpu.VMEM((mpad,), jnp.float32),
            pltpu.SemaphoreType.DMA,
            pltpu.SemaphoreType.DMA,
            pltpu.SemaphoreType.DMA,
            pltpu.SemaphoreType.DMA,
        ],
    )
    def k(z_hbm, ids_hbm, table_hbm, part_hbm,
          table_v, z0, i0, z1, i1, acc, sz0, si0, sz1, si1):
        wid = lax.axis_index("s") * NC + lax.axis_index("c")
        base = pl.multiple_of(wid * chunk, 8)

        def start(b, zbuf, ibuf, zsem, isem):
            off = pl.multiple_of(base + b * atom_blk, 8)
            pltpu.async_copy(z_hbm.at[pl.ds(off, atom_blk)], zbuf, zsem)
            pltpu.async_copy(ids_hbm.at[pl.ds(off, atom_blk)], ibuf, isem)

        start(0, z0, i0, sz0, si0)
        pltpu.sync_copy(table_hbm, table_v)

        zeros = jnp.zeros((LANES,), jnp.float32)

        @plsc.parallel_loop(0, mpad // LANES, 1, unroll=16)
        def _zero(j):
            acc[pl.ds(j * LANES, LANES)] = zeros

        def wait(zbuf, ibuf, zsem, isem):
            pltpu.make_async_copy(
                z_hbm.at[pl.ds(0, atom_blk)], zbuf, zsem).wait()
            pltpu.make_async_copy(
                ids_hbm.at[pl.ds(0, atom_blk)], ibuf, isem).wait()

        lane_base = lax.iota(jnp.int32, LANES) * stride

        def compute(zbuf, ibuf):
            @plsc.parallel_loop(0, stride, 1, unroll=UNROLL)
            def _step(i):
                idx = lane_base + i
                z16 = plsc.load_gather(zbuf, [idx])
                s16 = plsc.load_gather(ibuf, [idx])
                v = plsc.load_gather(table_v, [z16])
                plsc.addupdate_scatter(acc, [s16], v)

        def super_step(j, c):
            b = j * 2
            start(b + 1, z1, i1, sz1, si1)
            wait(z0, i0, sz0, si0)
            compute(z0, i0)

            @pl.when(b + 2 < num_blocks)
            def _():
                start(b + 2, z0, i0, sz0, si0)

            wait(z1, i1, sz1, si1)
            compute(z1, i1)
            return c

        lax.fori_loop(0, num_blocks // 2, super_step, 0)

        pltpu.sync_copy(acc, part_hbm.at[wid])

    return k


def _p2body(m, part_ref, ro_ref, out_ref):
    s = jnp.sum(part_ref[...], axis=0, keepdims=True)
    out_ref[...] = ro_ref[...] + s[:, :m]


def kernel(energy_readout, atomic_numbers, atomic_subsystem_indices,
           self_energies_tensor):
    n = atomic_numbers.shape[0]
    m = energy_readout.shape[0]
    chunk = n // NW
    atom_blk = 2000
    num_blocks = chunk // atom_blk
    mpad = ((m + BLKM - 1) // BLKM) * BLKM
    mb = mpad // BLKM

    table16 = jnp.pad(self_energies_tensor,
                      (0, LANES - self_energies_tensor.shape[0]))

    partials = _phase1(num_blocks, chunk, atom_blk, mpad)(
        atomic_numbers, atomic_subsystem_indices, table16)

    ro = energy_readout.reshape(1, m)

    out = pl.pallas_call(
        functools.partial(_p2body, m),
        out_shape=jax.ShapeDtypeStruct((1, m), jnp.float32),
    )(partials, ro)

    return out.reshape(m)

# --- scband reference (transcript-rebuilt; emitter-appended) ---
"""Pipeline reference for scband-add-self-energies-18030272708652 (READ-ONLY COPY).

The authoritative reference and input builder live on the scoring server;
editing this copy changes nothing except your own understanding.
"""

import jax, jax.numpy as jnp
import numpy as np

M = 100000
N = 3200000
MAX_Z = 9

def setup_inputs(seed: int = 0) -> dict:
    key = jax.random.key(seed)
    k1, k2, k3 = jax.random.split(key, 3)
    energy_readout = jax.random.normal(k1, (M,), dtype=jnp.float32)
    atomic_numbers = jax.random.randint(k2, (N,), 0, MAX_Z, dtype=jnp.int64 if jax.config.jax_enable_x64 else jnp.int32).astype(jnp.int32)
    atomic_subsystem_indices = jnp.sort(jax.random.randint(k3, (N,), 0, M).astype(jnp.int32))
    # learned/constant parameter: self-energy table built from dataset_statistics
    self_energies_tensor = jnp.zeros((MAX_Z,), dtype=jnp.float32)
    pairs = [(1, -0.6), (6, -38.08), (7, -54.71), (8, -75.19)]
    zs = jnp.array([p[0] for p in pairs], dtype=jnp.int32)
    es = jnp.array([p[1] for p in pairs], dtype=jnp.float32)
    self_energies_tensor = self_energies_tensor.at[zs].set(es)
    return {
        "energy_readout": energy_readout,
        "atomic_numbers": atomic_numbers,
        "atomic_subsystem_indices": atomic_subsystem_indices,
        "self_energies_tensor": self_energies_tensor,
    }

def reference(energy_readout, atomic_numbers, atomic_subsystem_indices, self_energies_tensor):
    # gather: per-atom self energy from table indexed by atomic number
    atom_self_energies = jnp.take(self_energies_tensor, atomic_numbers, axis=0)
    # segment-sum per molecule (vectorized equivalent of the python mask loop)
    molecule_self_energies = jax.ops.segment_sum(
        atom_self_energies, atomic_subsystem_indices, num_segments=energy_readout.shape[0]
    )
    adjusted_energies = energy_readout + molecule_self_energies
    return adjusted_energies

if __name__ == "__main__":
    import jax
    _d = setup_inputs()
    print(jax.jit(kernel)(*tuple(_d.values())))

</pallas_src>

<mosaic_0001>
#map = affine_map<(d0, d1) -> (0)>
#map1 = affine_map<(d0, d1) -> (0, 0)>
module attributes {stable_mosaic.version = 14 : i64} {
  func.func @k(%arg0: i32, %arg1: i32, %arg2: memref<3200000xi32, #tpu.memory_space<hbm>>, %arg3: memref<3200000xi32, #tpu.memory_space<hbm>>, %arg4: memref<16xf32, #tpu.memory_space<hbm>>, %arg5: memref<32x100352xf32, #tpu.memory_space<hbm>>, %arg6: memref<16xf32, #tpu.memory_space<vmem>>, %arg7: memref<2000xi32, #tpu.memory_space<vmem>>, %arg8: memref<2000xi32, #tpu.memory_space<vmem>>, %arg9: memref<2000xi32, #tpu.memory_space<vmem>>, %arg10: memref<2000xi32, #tpu.memory_space<vmem>>, %arg11: memref<100352xf32, #tpu.memory_space<vmem>>, %arg12: memref<!tpu.dma_semaphore, #tpu.memory_space<semaphore_mem>>, %arg13: memref<!tpu.dma_semaphore, #tpu.memory_space<semaphore_mem>>, %arg14: memref<!tpu.dma_semaphore, #tpu.memory_space<semaphore_mem>>, %arg15: memref<!tpu.dma_semaphore, #tpu.memory_space<semaphore_mem>>) attributes {dimension_semantics = [#tpu.dimension_semantics<core_parallel>, #tpu.dimension_semantics<subcore_parallel>], iteration_bounds = array<i64: 2, 16>, scalar_prefetch = 0 : i64, scratch_operands = 10 : i64, tpu.core_type = #tpu.core_type<sc_vector_subcore>, window_params = [{transform_indices = #map}, {transform_indices = #map}, {transform_indices = #map}, {transform_indices = #map1}]} {
    %mul3A = arith.constant 2 : i32
    %mul3A_0 = arith.muli %arg1, %mul3A : i32
    %add3A = arith.addi %mul3A_0, %arg0 : i32
    %mul3A_1 = arith.constant 100000 : i32
    %mul3A_2 = arith.muli %add3A, %mul3A_1 : i32
    %multiple_of3A = tpu.assume_multiple %mul3A_2, 8 : i32
    %add3A_3 = arith.constant 0 : i32
    %add3A_4 = arith.addi %multiple_of3A, %add3A_3 : i32
    %multiple_of3A_5 = tpu.assume_multiple %add3A_4, 8 : i32
    %dma_start3A = tpu.memref_slice %arg2[%multiple_of3A_5] : memref<3200000xi32, #tpu.memory_space<hbm>> -> memref<2000xi32, #tpu.memory_space<hbm>>
    %dma_start3A_6 = tpu.memref_slice %arg2[%multiple_of3A_5] : memref<3200000xi32, #tpu.memory_space<hbm>> -> memref<2000xi32, #tpu.memory_space<hbm>>
    tpu.enqueue_dma source(%dma_start3A_6 : memref<2000xi32, #tpu.memory_space<hbm>>) target(%arg7 : memref<2000xi32, #tpu.memory_space<vmem>>) target_semaphore(%arg12 : memref<!tpu.dma_semaphore, #tpu.memory_space<semaphore_mem>>)
    %dma_start3A_7 = tpu.memref_slice %arg3[%multiple_of3A_5] : memref<3200000xi32, #tpu.memory_space<hbm>> -> memref<2000xi32, #tpu.memory_space<hbm>>
    %dma_start3A_8 = tpu.memref_slice %arg3[%multiple_of3A_5] : memref<3200000xi32, #tpu.memory_space<hbm>> -> memref<2000xi32, #tpu.memory_space<hbm>>
    tpu.enqueue_dma source(%dma_start3A_8 : memref<2000xi32, #tpu.memory_space<hbm>>) target(%arg8 : memref<2000xi32, #tpu.memory_space<vmem>>) target_semaphore(%arg13 : memref<!tpu.dma_semaphore, #tpu.memory_space<semaphore_mem>>)
    "tpu.region"() ({
      %run_scoped3A = tpu.sem_alloc : memref<!tpu.dma_semaphore, #tpu.memory_space<semaphore_mem>>
      tpu.enqueue_dma source(%arg4 : memref<16xf32, #tpu.memory_space<hbm>>) target(%arg6 : memref<16xf32, #tpu.memory_space<vmem>>) target_semaphore(%run_scoped3A : memref<!tpu.dma_semaphore, #tpu.memory_space<semaphore_mem>>)
      tpu.wait_dma2 semaphore(%run_scoped3A : memref<!tpu.dma_semaphore, #tpu.memory_space<semaphore_mem>>) src(%arg4 : memref<16xf32, #tpu.memory_space<hbm>>) dst(%arg6 : memref<16xf32, #tpu.memory_space<vmem>>)
      tpu.yield
    }) : () -> ()
    %broadcast_in_dim3A = arith.constant 0.000000e+00 : f32
    %broadcast_in_dim3A_9 = vector.broadcast %broadcast_in_dim3A : f32 to vector<16xf32>
    %parallel_loop3A = arith.constant 0 : i32
    %parallel_loop3A_10 = arith.constant 6272 : i32
    %parallel_loop3A_11 = arith.constant 1 : i32
    scf.for %parallel_loop3A_20 = %parallel_loop3A to %parallel_loop3A_10 step %parallel_loop3A_11  : i32 {
      %parallel_loop3A_21 = arith.constant 16 : i32
      %parallel_loop3A_22 = arith.muli %parallel_loop3A_20, %parallel_loop3A_21 : i32
      %parallel_loop3A_23 = arith.index_cast %parallel_loop3A_22 : i32 to index
      %parallel_loop3A_24 = tpu.vector_load %arg11[%parallel_loop3A_23] {strides = array<i32>} : memref<100352xf32, #tpu.memory_space<vmem>>, vector<16xf32>,
      tpu.vector_store %arg11[%parallel_loop3A_23], %broadcast_in_dim3A_9 {strides = array<i32>} : memref<100352xf32, #tpu.memory_space<vmem>>, vector<16xf32>,
    } {sc.loop_unroll_factor = 16 : i64, sc.parallel_access}
    %iota3A = tpu.iota {dimensions = array<i32: 0>} : vector<16xi32>
    %mul3A_12 = arith.constant 125 : i32
    %mul3A_13 = vector.broadcast %mul3A_12 : i32 to vector<16xi32>
    %mul3A_14 = arith.muli %iota3A, %mul3A_13 : vector<16xi32>
    %scan3A = arith.constant 0 : i32
    %scan3A_15 = arith.constant 0 : i32
    %scan3A_16 = arith.constant 25 : i32
    %scan3A_17 = arith.addi %scan3A_15, %scan3A_16 : i32
    %scan3A_18 = arith.constant 1 : i32
    scf.for %scan3A_20 = %scan3A_15 to %scan3A_17 step %scan3A_18  : i32 {
      %mul3A_21 = arith.constant 2 : i32
      %mul3A_22 = arith.muli %scan3A_20, %mul3A_21 : i32
      %add3A_23 = arith.constant 1 : i32
      %add3A_24 = arith.addi %mul3A_22, %add3A_23 : i32
      %mul3A_25 = arith.constant 2000 : i32
      %mul3A_26 = arith.muli %add3A_24, %mul3A_25 : i32
      %add3A_27 = arith.addi %multiple_of3A, %mul3A_26 : i32
      %multiple_of3A_28 = tpu.assume_multiple %add3A_27, 8 : i32
      %dma_start3A_29 = tpu.memref_slice %arg2[%multiple_of3A_28] : memref<3200000xi32, #tpu.memory_space<hbm>> -> memref<2000xi32, #tpu.memory_space<hbm>>
      %dma_start3A_30 = tpu.memref_slice %arg2[%multiple_of3A_28] : memref<3200000xi32, #tpu.memory_space<hbm>> -> memref<2000xi32, #tpu.memory_space<hbm>>
      tpu.enqueue_dma source(%dma_start3A_30 : memref<2000xi32, #tpu.memory_space<hbm>>) target(%arg9 : memref<2000xi32, #tpu.memory_space<vmem>>) target_semaphore(%arg14 : memref<!tpu.dma_semaphore, #tpu.memory_space<semaphore_mem>>)
      %dma_start3A_31 = tpu.memref_slice %arg3[%multiple_of3A_28] : memref<3200000xi32, #tpu.memory_space<hbm>> -> memref<2000xi32, #tpu.memory_space<hbm>>
      %dma_start3A_32 = tpu.memref_slice %arg3[%multiple_of3A_28] : memref<3200000xi32, #tpu.memory_space<hbm>> -> memref<2000xi32, #tpu.memory_space<hbm>>
      tpu.enqueue_dma source(%dma_start3A_32 : memref<2000xi32, #tpu.memory_space<hbm>>) target(%arg10 : memref<2000xi32, #tpu.memory_space<vmem>>) target_semaphore(%arg15 : memref<!tpu.dma_semaphore, #tpu.memory_space<semaphore_mem>>)
      %dma_wait3A = arith.constant 0 : i32
      %dma_wait3A_33 = tpu.memref_slice %arg2[%dma_wait3A] : memref<3200000xi32, #tpu.memory_space<hbm>> -> memref<2000xi32, #tpu.memory_space<hbm>>
      %dma_wait3A_34 = arith.constant 0 : i32
      %dma_wait3A_35 = tpu.memref_slice %arg2[%dma_wait3A_34] : memref<3200000xi32, #tpu.memory_space<hbm>> -> memref<2000xi32, #tpu.memory_space<hbm>>
      tpu.wait_dma2 semaphore(%arg12 : memref<!tpu.dma_semaphore, #tpu.memory_space<semaphore_mem>>) src(%dma_wait3A_35 : memref<2000xi32, #tpu.memory_space<hbm>>) dst(%arg7 : memref<2000xi32, #tpu.memory_space<vmem>>)
      %dma_wait3A_36 = arith.constant 0 : i32
      %dma_wait3A_37 = tpu.memref_slice %arg3[%dma_wait3A_36] : memref<3200000xi32, #tpu.memory_space<hbm>> -> memref<2000xi32, #tpu.memory_space<hbm>>
      %dma_wait3A_38 = arith.constant 0 : i32
      %dma_wait3A_39 = tpu.memref_slice %arg3[%dma_wait3A_38] : memref<3200000xi32, #tpu.memory_space<hbm>> -> memref<2000xi32, #tpu.memory_space<hbm>>
      tpu.wait_dma2 semaphore(%arg13 : memref<!tpu.dma_semaphore, #tpu.memory_space<semaphore_mem>>) src(%dma_wait3A_39 : memref<2000xi32, #tpu.memory_space<hbm>>) dst(%arg8 : memref<2000xi32, #tpu.memory_space<vmem>>)
      %parallel_loop3A_40 = arith.constant 0 : i32
      %parallel_loop3A_41 = arith.constant 125 : i32
      %parallel_loop3A_42 = arith.constant 1 : i32
      scf.for %parallel_loop3A_58 = %parallel_loop3A_40 to %parallel_loop3A_41 step %parallel_loop3A_42  : i32 {
        %parallel_loop3A_59 = vector.broadcast %parallel_loop3A_58 : i32 to vector<16xi32>
        %parallel_loop3A_60 = arith.addi %mul3A_14, %parallel_loop3A_59 : vector<16xi32>
        %parallel_loop3A_61 = tpu.vector_load_idx %arg7[%parallel_loop3A_60] : memref<2000xi32, #tpu.memory_space<vmem>>[vector<16xi32>], vector<16xi32>,
        %parallel_loop3A_62 = tpu.vector_load_idx %arg8[%parallel_loop3A_60] : memref<2000xi32, #tpu.memory_space<vmem>>[vector<16xi32>], vector<16xi32>,
        %parallel_loop3A_63 = tpu.vector_load_idx %arg6[%parallel_loop3A_61] : memref<16xf32, #tpu.memory_space<vmem>>[vector<16xi32>], vector<16xf32>,
        tpu.vector_store_idx %arg11[%parallel_loop3A_62], %parallel_loop3A_63 {add = true} : memref<100352xf32, #tpu.memory_space<vmem>>[vector<16xi32>], vector<16xf32>,
      } {sc.loop_unroll_factor = 25 : i64, sc.parallel_access}
      %add3A_43 = arith.constant 2 : i32
      %add3A_44 = arith.addi %mul3A_22, %add3A_43 : i32
      %lt3A = arith.constant 50 : i32
      %lt3A_45 = arith.cmpi slt, %add3A_44, %lt3A : i32
      %convert_element_type3A = arith.extui %lt3A_45 : i1 to i32
      %cond3A = arith.constant 0 : i32
      %cond3A_46 = arith.cmpi ne, %convert_element_type3A, %cond3A : i32
      scf.if %cond3A_46 {
        %add3A_58 = arith.constant 2 : i32
        %add3A_59 = arith.addi %mul3A_22, %add3A_58 : i32
        %mul3A_60 = arith.constant 2000 : i32
        %mul3A_61 = arith.muli %add3A_59, %mul3A_60 : i32
        %add3A_62 = arith.addi %multiple_of3A, %mul3A_61 : i32
        %multiple_of3A_63 = tpu.assume_multiple %add3A_62, 8 : i32
        %dma_start3A_64 = tpu.memref_slice %arg2[%multiple_of3A_63] : memref<3200000xi32, #tpu.memory_space<hbm>> -> memref<2000xi32, #tpu.memory_space<hbm>>
        %dma_start3A_65 = tpu.memref_slice %arg2[%multiple_of3A_63] : memref<3200000xi32, #tpu.memory_space<hbm>> -> memref<2000xi32, #tpu.memory_space<hbm>>
        tpu.enqueue_dma source(%dma_start3A_65 : memref<2000xi32, #tpu.memory_space<hbm>>) target(%arg7 : memref<2000xi32, #tpu.memory_space<vmem>>) target_semaphore(%arg12 : memref<!tpu.dma_semaphore, #tpu.memory_space<semaphore_mem>>)
        %dma_start3A_66 = tpu.memref_slice %arg3[%multiple_of3A_63] : memref<3200000xi32, #tpu.memory_space<hbm>> -> memref<2000xi32, #tpu.memory_space<hbm>>
        %dma_start3A_67 = tpu.memref_slice %arg3[%multiple_of3A_63] : memref<3200000xi32, #tpu.memory_space<hbm>> -> memref<2000xi32, #tpu.memory_space<hbm>>
        tpu.enqueue_dma source(%dma_start3A_67 : memref<2000xi32, #tpu.memory_space<hbm>>) target(%arg8 : memref<2000xi32, #tpu.memory_space<vmem>>) target_semaphore(%arg13 : memref<!tpu.dma_semaphore, #tpu.memory_space<semaphore_mem>>)
      } else {
      }
      %dma_wait3A_47 = arith.constant 0 : i32
      %dma_wait3A_48 = tpu.memref_slice %arg2[%dma_wait3A_47] : memref<3200000xi32, #tpu.memory_space<hbm>> -> memref<2000xi32, #tpu.memory_space<hbm>>
      %dma_wait3A_49 = arith.constant 0 : i32
      %dma_wait3A_50 = tpu.memref_slice %arg2[%dma_wait3A_49] : memref<3200000xi32, #tpu.memory_space<hbm>> -> memref<2000xi32, #tpu.memory_space<hbm>>
      tpu.wait_dma2 semaphore(%arg14 : memref<!tpu.dma_semaphore, #tpu.memory_space<semaphore_mem>>) src(%dma_wait3A_50 : memref<2000xi32, #tpu.memory_space<hbm>>) dst(%arg9 : memref<2000xi32, #tpu.memory_space<vmem>>)
      %dma_wait3A_51 = arith.constant 0 : i32
      %dma_wait3A_52 = tpu.memref_slice %arg3[%dma_wait3A_51] : memref<3200000xi32, #tpu.memory_space<hbm>> -> memref<2000xi32, #tpu.memory_space<hbm>>
      %dma_wait3A_53 = arith.constant 0 : i32
      %dma_wait3A_54 = tpu.memref_slice %arg3[%dma_wait3A_53] : memref<3200000xi32, #tpu.memory_space<hbm>> -> memref<2000xi32, #tpu.memory_space<hbm>>
      tpu.wait_dma2 semaphore(%arg15 : memref<!tpu.dma_semaphore, #tpu.memory_space<semaphore_mem>>) src(%dma_wait3A_54 : memref<2000xi32, #tpu.memory_space<hbm>>) dst(%arg10 : memref<2000xi32, #tpu.memory_space<vmem>>)
      %parallel_loop3A_55 = arith.constant 0 : i32
      %parallel_loop3A_56 = arith.constant 125 : i32
      %parallel_loop3A_57 = arith.constant 1 : i32
      scf.for %parallel_loop3A_58 = %parallel_loop3A_55 to %parallel_loop3A_56 step %parallel_loop3A_57  : i32 {
        %parallel_loop3A_59 = vector.broadcast %parallel_loop3A_58 : i32 to vector<16xi32>
        %parallel_loop3A_60 = arith.addi %mul3A_14, %parallel_loop3A_59 : vector<16xi32>
        %parallel_loop3A_61 = tpu.vector_load_idx %arg9[%parallel_loop3A_60] : memref<2000xi32, #tpu.memory_space<vmem>>[vector<16xi32>], vector<16xi32>,
        %parallel_loop3A_62 = tpu.vector_load_idx %arg10[%parallel_loop3A_60] : memref<2000xi32, #tpu.memory_space<vmem>>[vector<16xi32>], vector<16xi32>,
        %parallel_loop3A_63 = tpu.vector_load_idx %arg6[%parallel_loop3A_61] : memref<16xf32, #tpu.memory_space<vmem>>[vector<16xi32>], vector<16xf32>,
        tpu.vector_store_idx %arg11[%parallel_loop3A_62], %parallel_loop3A_63 {add = true} : memref<100352xf32, #tpu.memory_space<vmem>>[vector<16xi32>], vector<16xf32>,
      } {sc.loop_unroll_factor = 25 : i64, sc.parallel_access}
    }
    %scan3A_19 = arith.constant 25 : i32
    "tpu.region"() ({
      %run_scoped3A = tpu.sem_alloc : memref<!tpu.dma_semaphore, #tpu.memory_space<semaphore_mem>>
      %dma_start3A_20 = arith.constant 0 : i32
      %dma_start3A_21 = tpu.memref_slice %arg5[%add3A, %dma_start3A_20] : memref<32x100352xf32, #tpu.memory_space<hbm>> -> memref<1x100352xf32, #tpu.memory_space<hbm>>
      %dma_start3A_22 = tpu.memref_squeeze %dma_start3A_21 : memref<1x100352xf32, #tpu.memory_space<hbm>> -> memref<100352xf32, #tpu.memory_space<hbm>>
      %dma_start3A_23 = arith.constant 0 : i32
      %dma_start3A_24 = tpu.memref_slice %arg5[%add3A, %dma_start3A_23] : memref<32x100352xf32, #tpu.memory_space<hbm>> -> memref<1x100352xf32, #tpu.memory_space<hbm>>
      %dma_start3A_25 = tpu.memref_squeeze %dma_start3A_24 : memref<1x100352xf32, #tpu.memory_space<hbm>> -> memref<100352xf32, #tpu.memory_space<hbm>>
      tpu.enqueue_dma source(%arg11 : memref<100352xf32, #tpu.memory_space<vmem>>) target(%dma_start3A_25 : memref<100352xf32, #tpu.memory_space<hbm>>) target_semaphore(%run_scoped3A : memref<!tpu.dma_semaphore, #tpu.memory_space<semaphore_mem>>)
      %dma_wait3A = arith.constant 0 : i32
      %dma_wait3A_26 = tpu.memref_slice %arg5[%add3A, %dma_wait3A] : memref<32x100352xf32, #tpu.memory_space<hbm>> -> memref<1x100352xf32, #tpu.memory_space<hbm>>
      %dma_wait3A_27 = tpu.memref_squeeze %dma_wait3A_26 : memref<1x100352xf32, #tpu.memory_space<hbm>> -> memref<100352xf32, #tpu.memory_space<hbm>>
      %dma_wait3A_28 = arith.constant 0 : i32
      %dma_wait3A_29 = tpu.memref_slice %arg5[%add3A, %dma_wait3A_28] : memref<32x100352xf32, #tpu.memory_space<hbm>> -> memref<1x100352xf32, #tpu.memory_space<hbm>>
      %dma_wait3A_30 = tpu.memref_squeeze %dma_wait3A_29 : memref<1x100352xf32, #tpu.memory_space<hbm>> -> memref<100352xf32, #tpu.memory_space<hbm>>
      tpu.wait_dma2 semaphore(%run_scoped3A : memref<!tpu.dma_semaphore, #tpu.memory_space<semaphore_mem>>) src(%arg11 : memref<100352xf32, #tpu.memory_space<vmem>>) dst(%dma_wait3A_30 : memref<100352xf32, #tpu.memory_space<hbm>>)
      tpu.yield
    }) : () -> ()
    return
  }
}

module attributes {stable_mosaic.version = 14 : i64} {
  func.func @_p2body(%arg0: memref<32x100352xf32, #tpu.memory_space<vmem>>, %arg1: memref<1x100000xf32, #tpu.memory_space<vmem>>, %arg2: memref<1x100000xf32, #tpu.memory_space<vmem>>) attributes {dimension_semantics = [], scalar_prefetch = 0 : i64, scratch_operands = 0 : i64, tpu.core_type = #tpu.core_type<tc>} {
    %get3A = arith.constant 0 : index
    %get3A_0 = arith.constant 0 : index
    %get3A_1 = vector.load %arg0[%get3A, %get3A_0] : memref<32x100352xf32, #tpu.memory_space<vmem>>, vector<32x100352xf32>
    %reduce_sum3A = arith.constant dense<0.000000e+00> : vector<100352xf32>
    %reduce_sum3A_2 = vector.multi_reduction <add>, %get3A_1, %reduce_sum3A [0] : vector<32x100352xf32> to vector<100352xf32>
    %broadcast_in_dim3A = vector.shape_cast %reduce_sum3A_2 : vector<100352xf32> to vector<1x100352xf32>
    %get3A_3 = arith.constant 0 : index
    %get3A_4 = arith.constant 0 : index
    %get3A_5 = vector.load %arg1[%get3A_3, %get3A_4] : memref<1x100000xf32, #tpu.memory_space<vmem>>, vector<1x100000xf32>
    %slice3A = vector.extract_strided_slice %broadcast_in_dim3A {offsets = [0, 0], sizes = [1, 100000], strides = [1, 1]} : vector<1x100352xf32> to vector<1x100000xf32>
    %add3A = arith.addf %get3A_5, %slice3A : vector<1x100000xf32>
    %swap3A = arith.constant 0 : index
    %swap3A_6 = arith.constant 0 : index
    %swap3A_7 = vector.load %arg2[%swap3A, %swap3A_6] : memref<1x100000xf32, #tpu.memory_space<vmem>>, vector<1x100000xf32>
    tpu.vector_store %arg2[%swap3A, %swap3A_6], %add3A {strides = array<i32>} : memref<1x100000xf32, #tpu.memory_space<vmem>>, vector<1x100000xf32>,
    return
  }
}

</mosaic_0001>

<sc_bundles>
// kernel: kernel.4.cloned.1.call-start
scs
__scs_entry_jumppad:
0x0: {  	(pc) =	sbr.rel $0x88, $3  }
0x1: {  	(tag) =	ssettag $0x0;
	lr =	simm.s32 $0x1  }
0x2: {  	[smem:$0x3F9D] =	sst lr;
	_ =	strace $0xD0000000  }
0x3: {  	_ = 	snop  }
0x4: {  	_ = 	snop  }
0x5: {  	_ = 	snop  }
0x6: {  	_ = 	snop  }
0x7: {  	_ = 	snop  }
__scs_overlays_trampoline_lowered:
0x8: {  	[smem:$0x3FAC] =	sst s0  }
0x9: {  	[smem:$0x3FAD] =	sst s1  }
0xa: {  	[smem:$0x3FAE] =	sst s2  }
0xb: {  	[smem:$0x3FAF] =	sst s3  }
0xc: {  	[smem:$0x3FB0] =	sst s4  }
0xd: {  	[smem:$0x3FB1] =	sst s5  }
0xe: {  	[smem:$0x3FB2] =	sst s6  }
0xf: {  	[smem:$0x3FB3] =	sst s7  }
0x10: {  	[smem:$0x3FB4] =	sst s8  }
0x11: {  	[smem:$0x3FB5] =	sst s9;
	s0 =	simm.s32 @!p0 $0x0  }
0x12: {  	s1 =	sld [smem:$0x3F9B];
	s0 =	simm.s32 @p0 $0x1  }
0x13: {  	[smem:$0x3FB6] =	sst s0;
	s0 =	simm.s32 @!p1 $0x0  }
0x14: {  	s2 =	sld [smem:$0x3F9A];
	s0 =	simm.s32 @p1 $0x1  }
0x15: {  	[smem:$0x3FB7] =	sst s0;
	s0 =	simm.s32 @!p2 $0x0  }
0x16: {  	s3 =	sld [smem:$0x3FDB];
	s0 =	simm.s32 @p2 $0x1  }
0x17: {  	s4 =	simm.s32 $0x1BF5;
	[smem:$0x3FB9] =	sst s0  }
0x18: {  	s0 =	sld [smem:$0x3F9C];
	_ =	swait.ge [sflag:s4], $0x0  }
0x19: {  	s7 =	sld [smem:$0x3F9D]  }
0x1a: {  	s8 =	sadd.s32 $0xFFFFE003, lr  }
0x1b: {  	s9 =	sadd.s32 $0xFFFFFEF7, lr;
	s5 =	simm.s32 $0xFFFFFFFF;
	p2 =	slt.u32 s8, $0xFFFFF086  }
0x1c: {  	p1 =	slt.u32 s9, $0xF7A;
	s5 =	simm.s32 @!p2 $0x0  }
0x1d: {  	s5 =	simm.s32 @p1 $0x1;
	p0 =	seq.s32 s7, s2  }
0x1e: {  	s7 =	smul.u32 @!p0 $0xF7A, s2;
	p2 =	seq.s32 @!p0 s5, $0x0  }
0x1f: {  	s9 =	smul.u32 $0xF7A, s1;
	s8 =	simm.s32 @!p0 $0x1BF5;
	p2 =	por !p2, p0  }
0x20: {  	[sflag:s8] =	ssyncset.s32 @!p0 $0xFFFFF086;
	s6 =	sadd.s32 @!p0 s3, s7;
	s7 =	simm.s32 @!p0 $0x108  }
0x21: {  	s3 =	sadd.s32 s3, s9;
	s6 =	sadd.s32 @!p0 $0x88, s6;
	s7 =	simm.s32 @p2 $0x1082  }
0x22: {  	[simem:s7], [sflag:s8] =	dma.local @!p0 [hbm:s6], $0xF7A  }
0x23: {  	s9 =	sor.u32 $0xD0000000, s2;
	s6 =	simm.s32 $0x108;
	_ =	swait.ge @!p0 [sflag:s8], $0x0  }
0x24: {  	s3 =	sadd.s32 $0x88, s3;
	s6 =	simm.s32 @!p1 $0x1082;
	[sflag:s4] =	ssyncset.s32 $0xFFFFF086  }
0x25: {  	[simem:s6], [sflag:s4] =	dma.local [hbm:s3], $0xF7A  }
0x26: {  	[smem:$0x3F9D] =	sst s1;
	(tag) =	ssettag s2;
	_ =	strace s9  }
0x27: {  	s1 =	sld [smem:$0x3FAD]  }
0x28: {  	s2 =	sld [smem:$0x3FAE]  }
0x29: {  	s4 =	sld [smem:$0x3FB0]  }
0x2a: {  	p0 =	seq.s32 s5, $0x0;
	s5 =	sld [smem:$0x3FB1]  }
0x2b: {  	s6 =	sld [smem:$0x3FB2]  }
0x2c: {  	s7 =	sld [smem:$0x3FB3]  }
0x2d: {  	s3 =	simm.s32 $0x108;
	s8 =	sld [smem:$0x3FB4]  }
0x2e: {  	s3 =	simm.s32 @!p0 $0x1082;
	s9 =	sld [smem:$0x3FB5]  }
0x2f: {  	lr =	sadd.s32 s0, s3;
	s0 =	sld [smem:$0x3FAC]  }
0x30: {  	s3 =	sld [smem:$0x3FAF]  }
0x31: {  	[smem:$0x3FB8] =	sst s10  }
0x32: {  	s10 =	sld [smem:$0x3FB6];
	_ =	sdelay $0x3  }
0x33: {  	p0 =	seq.s32 s10, $0x1;
	s10 =	sld [smem:$0x3FB8];
	_ =	sdelay $0x3  }
0x34: {  	[smem:$0x3FB8] =	sst s10  }
0x35: {  	s10 =	sld [smem:$0x3FB7];
	_ =	sdelay $0x3  }
0x36: {  	p1 =	seq.s32 s10, $0x1;
	s10 =	sld [smem:$0x3FB8];
	_ =	sdelay $0x3  }
0x37: {  	[smem:$0x3FB8] =	sst s10  }
0x38: {  	s10 =	sld [smem:$0x3FB9]  }
0x39: {  	_ = 	snop;
	(pc) =	sbr.ind lr, $3  }
0x3a: {  	_ = 	snop  }
0x3b: {  	_ = 	snop  }
0x3c: {  	p2 =	seq.s32 s10, $0x1;
	s10 =	sld [smem:$0x3FB8]  }
0x3d: {  	_ =	shalt  }
0x3e: {  	_ =	shalt  }
0x3f: {  	_ =	shalt  }
0x40: {  	_ =	shalt  }
0x41: {  	_ =	shalt  }
0x42: {  	_ =	shalt  }
0x43: {  	_ =	shalt  }
0x44: {  	_ =	shalt  }
0x45: {  	_ =	shalt  }
0x46: {  	_ =	shalt  }
0x47: {  	_ =	shalt  }
0x48: {  	_ =	shalt  }
0x49: {  	_ =	shalt  }
0x4a: {  	_ =	shalt  }
0x4b: {  	_ =	shalt  }
0x4c: {  	_ =	shalt  }
0x4d: {  	_ =	shalt  }
0x4e: {  	_ =	shalt  }
0x4f: {  	_ =	shalt  }
0x50: {  	_ =	shalt  }
0x51: {  	_ =	shalt  }
0x52: {  	_ =	shalt  }
0x53: {  	_ =	shalt  }
0x54: {  	_ =	shalt  }
0x55: {  	_ =	shalt  }
0x56: {  	_ =	shalt  }
0x57: {  	_ =	shalt  }
0x58: {  	_ =	shalt  }
0x59: {  	_ =	shalt  }
0x5a: {  	_ =	shalt  }
0x5b: {  	_ =	shalt  }
0x5c: {  	_ =	shalt  }
0x5d: {  	_ =	shalt  }
0x5e: {  	_ =	shalt  }
0x5f: {  	_ =	shalt  }
0x60: {  	_ =	shalt  }
0x61: {  	_ =	shalt  }
0x62: {  	_ =	shalt  }
0x63: {  	_ =	shalt  }
0x64: {  	_ =	shalt  }
0x65: {  	_ =	shalt  }
0x66: {  	_ =	shalt  }
0x67: {  	_ =	shalt  }
0x68: {  	_ =	shalt  }
0x69: {  	_ =	shalt  }
0x6a: {  	_ =	shalt  }
0x6b: {  	_ =	shalt  }
0x6c: {  	_ =	shalt  }
0x6d: {  	_ =	shalt  }
0x6e: {  	_ =	shalt  }
0x6f: {  	_ =	shalt  }
0x70: {  	_ =	shalt  }
0x71: {  	_ =	shalt  }
0x72: {  	_ =	shalt  }
0x73: {  	_ =	shalt  }
0x74: {  	_ =	shalt  }
0x75: {  	_ =	shalt  }
0x76: {  	_ =	shalt  }
0x77: {  	_ =	shalt  }
0x78: {  	_ =	shalt  }
0x79: {  	_ =	shalt  }
0x7a: {  	_ =	shalt  }
0x7b: {  	_ =	shalt  }
0x7c: {  	_ =	shalt  }
0x7d: {  	_ =	shalt  }
0x7e: {  	_ =	shalt  }
0x7f: {  	_ =	shalt  }
0x80: {  	_ =	shalt  }
0x81: {  	_ =	shalt  }
0x82: {  	_ =	shalt  }
0x83: {  	_ =	shalt  }
0x84: {  	_ =	shalt  }
0x85: {  	_ =	shalt  }
0x86: {  	_ =	shalt  }
0x87: {  	_ =	shalt  }
.Lfunc_end0:
.L_simem_size_0:
called_computation_lowered:
.L_overlay_start_0:
0x88: {  	s2 =	sld [smem:$0x3FD9]  }
0x89: {  	s3 =	sld [smem:$0x3FFE];
	_ =	sdelay $0x1  }
0x8a: {  	s1 =	srdreg.scid  }
0x8b: {  	s0 =	sand.u32 $0x1, s1  }
0x8c: {  	s17 =	sshll.u32 s0, $0xA;
	s2 =	sadd.s32 s3, s2  }
0x8d: {  	s2 =	sadd.s32 s2, s17  }
0x8e: {  	[smem:$0x3FC4] =	sst s2  }
0x8f: {  	_ = 	snop  }
0x90: {  	s2 =	sld [smem:$0x3FC8]  }
0x91: {  	s18 =	sld [smem:$0x3FC7]  }
0x92: {  	s4 =	sld [smem:$0x3FD0];
	(tm) =	ssettm $0x1  }
0x93: {  	s5 =	sld [smem:$0x3FFB];
	_ =	sdelay $0x3  }
0x94: {  	_ =	strace s5  }
0x95: {  	s5 =	sld [smem:$0x3FFC];
	_ =	sdelay $0x3  }
0x96: {  	_ =	strace s5  }
0x97: {  	s5 =	sld [smem:$0x3FFD];
	_ =	sdelay $0x3  }
0x98: {  	_ =	strace s5  }
0x99: {  	_ =	strace $0x8FFFFFFF  }
0x9a: {  	s19 =	sld [smem:$0x3FDB];
	_ =	sdelay $0x1  }
0x9b: {  	s6 =	simm.s32 $_scs_section_size  }
0x9c: {  	s7 =	simm.s32 $_size__tile_overlayer_lowered;
	s8 =	simm.s32 $_tile_overlayer_lowered  }
0x9d: {  	s22 =	simm.s32 $0x1BFF;
	s21 =	sshll.u32 s8, $0x1;
	s5 =	sadd.s32 s6, s19  }
0x9e: {  	s9 =	simm.s32 $0x0;
	s20 =	sshll.u32 s7, $0x1;
	s7 =	sadd.s32 s21, s5  }
0x9f: {  	[timem:s9], [sflag:s22] =	dma.local [hbm:s7], s20  }
0xa0: {  	_ =	swait.ge [sflag:s22], s20  }
0xa1: {  	s6 =	ssub.s32 $0x0, s20;
	[sflag:s22] =	ssyncset.done $0x0  }
0xa2: {  	[sflag:s22] =	ssyncadd.s32 s6;
	_ =	sdelay $0x1  }
0xa3: {  	s23 =	simm.s32 $0x1B8B  }
0xa4: {  	_ =	swait.ge [sflag:s23], $0x1  }
0xa5: {  	[sflag:s23] =	ssyncset.done $0x0  }
0xa6: {  	s25 =	simm.s32 $0x1B8E;
	s24 =	sld [smem:$0x3FFE];
	[sflag:s23] =	ssyncadd.s32 $0xFFFFFFFF  }
0xa7: {  	s26 =	simm.s32 $execute0_lowered;
	[smem:$0x3FD2] =	sst s25  }
0xa8: {  	s7 =	sshll.u32 s26, $0x1;
	_ =	strace $0x80000046;
	[dreg:$0x1] =	wrdreg $0xFFFFFFFF  }
0xa9: {  	s28 =	simm.s32 $_size_execute0_lowered;
	s5 =	sadd.s32 s5, s7;
	[dreg:$0x0] =	wrdreg $0x0  }
0xaa: {  	s7 =	sshll.u32 s28, $0x1;
	[dreg:$0x2] =	wrdreg s5  }
0xab: {  	[dreg:$0x3] =	wrdreg s7  }
0xac: {  	[dreg:$0x4] =	wrdreg $0xC0  }
0xad: {  	_ =	task [dreg:s9], $0x5FFFF  }
0xae: {  	[dreg:$0x1] =	wrdreg $0xFFFFFFFF  }
0xaf: {  	[dreg:$0x0] =	wrdreg $0x60  }
0xb0: {  	[dreg:$0x2] =	wrdreg s2  }
0xb1: {  	[dreg:$0x3] =	wrdreg s18  }
0xb2: {  	[dreg:$0x4] =	wrdreg s4  }
0xb3: {  	[dreg:$0x5] =	wrdreg s24  }
0xb4: {  	[dreg:$0x6] =	wrdreg $0x9  }
0xb5: {  	_ =	task.clear_ibuf [dreg:s9], $0x7FFFF;
	_ =	strace $0x90000046  }
0xb6: {  	s29 =	simm.s32 $0x9;
	_ =	strace $0x80000048  }
0xb7: {  	_ =	swait.ge [sflag:s29], $0x1  }
0xb8: {  	[sflag:s29] =	ssyncadd.s32 $0xFFFFFFFF  }
0xb9: {  	_ =	strace $0x90000048  }
0xba: {  	_ =	sfence  }
0xbb: {  	s30 =	sld [smem:$0x0];
	_ =	sdelay $0x2  }
0xbc: {  	s31 =	sshll.u32 s1, $0xD;
	s1 =	sshrl.u32 s1, $0x2  }
0xbd: {  	s3 =	sand.u32 $0x4000, s31;
	s1 =	sadd.s32 s1, s30  }
0xbe: {  	s0 =	sor.u32 s3, s0;
	s1 =	sshll.u32 s1, $0x11  }
0xbf: {  	s0 =	sor.u32 s1, s0  }
0xc0: {  	s0 =	sadd.s32 $0x8F2B, s0  }
0xc1: {  	[sflag:s0] =	ssyncadd.remote.s32 $0x1  }
0xc2: {  	_ =	sfence.sel $0xFFFF  }
0xc3: {  	[dreg:$0x0] =	wrdreg $0xFFFFFFFF;
	(pc) =	sbr.abs _section_cstart, $3  }
0xc4: {  	[dreg:$0x1] =	wrdreg $0xFFFFFFFF  }
0xc5: {  	_ =	task.clear_ibuf [dreg:s9], $0x2FFFF;
	_ =	strace $0x9FFFFFFF  }
0xc6: {  	(tm) =	ssettm $0x7FFFFFFF  }
0xc7: {  	_ =	shalt  }
tec
execute0_lowered:
.L_overlay_start_1:
0x0: {  	(tag) =	ssettag $0x1  }
0x1: {  	s1 =	rddreg [dreg:$0x0]  }
0x2: {  	s2 =	rddreg [dreg:$0x1]  }
0x3: {  	s4 =	rddreg [dreg:$0x2];
	s3 =	srdreg.scid  }
0x4: {  	s0 =	stileid.u32;
	s6 =	rddreg [dreg:$0x3]  }
0x5: {  	s13 =	simm.s32 $0x880;
	s14 =	simm.s32 $0x5;
	s15 =	simm.s32 $0x1080  }
0x6: {  	s16 =	simm.s32 $0x1880;
	s17 =	simm.s32 $0x1;
	s18 =	simm.s32 $0x2  }
0x7: {  	s19 =	simm.s32 $0x2080;
	s20 =	simm.s32 $0x3;
	s21 =	simm.s32 $0x4  }
0x8: {  	s22 =	simm.s32 $0x400;
	s7 =	sand.u32 $0x1, s3;
	s5 =	sshll.u32 s0, $0x1  }
0x9: {  	s23 =	simm.s32 $0x0;
	s9 =	sshrl.u32 s0, $0x2;
	s8 =	sor.u32 s7, s5  }
0xa: {  	s5 =	simm.s32 $0x0;
	s9 =	smul.u32 $0xC4000, s9;
	s7 =	ssub.s32 $0x2, s7  }
0xb: {  	s10 =	sshll.u32 s8, $0x7;
	[smem:$0x7FF] =	sst s5;
	s28 =	smul.u32 $0x186A0, s8  }
0xc: {  	s30 =	sshrl.u32 s7, $0x1;
	s10 =	sand.u32 $0x380, s10;
	_ =	strace $0x80000047  }
0xd: {  	s12 =	ssub.s32 s7, s30;
	s9 =	sor.u32 s9, s10;
	s31 =	sshrl.u32 s28, $0x3  }
0xe: {  	s8 =	sadd.s32 $0x7D0, s28;
	s29 =	sshrl.u32 s9, $0x3;
	s7 =	sadd.s32 s2, s31  }
0xf: {  	v1 =	vlaneseq.u32;
	s9 =	sadd.s32 $0xFA0, s28;
	s11 =	sadd.s32 s29, s6;
	s6 =	sadd.s32 s1, s31  }
0x10: {  	v0 =	vimm.f32 $0.0e+00;
	v1 =	vmul.u32 $0x7D, v1;
	s10 =	sadd.s32 $0x400, s11;
	s11 =	smax.u32 s12, $0x1;
	s12 =	simm.s32 $0x80  }
.LBB2_1:
0x11: {  	[tilespmem:s12], [sflag:$0x1] =	stream.linear.gather [hbm4b:s6+s5], $0x7D0, $0x38;
	[tilespmem:$0x1A880] =	vst v63  }
0x12: {  	_ = 	snop  }
0x13: {  	[tilespmem:s13], [sflag:$0x2] =	stream.linear.gather [hbm4b:s7+s5], $0x7D0, $0x38;
	[tilespmem:$0x1A880] =	vst v63  }
0x14: {  	_ = 	snop  }
0x15: {  	[tilespmem:s5], [sflag:$0x5] =	stream.linear.gather [hbm4b:s4+s5], $0x80, $0x38;
	[tilespmem:$0x1A880] =	vst v63  }
0x16: {  	_ =	swait.ge [sflag:s14], $0x80  }
0x17: {  	[sflag:s14] =	ssyncset.done $0x0  }
0x18: {  	s24 =	simm.s32 $0x2100;
	[sflag:s14] =	ssyncadd.s32 $0xFFFFFF80  }
0x19: {  	[tilespmem:s24+$0xFFFFFF80] =	vst v0  }
0x1a: {  	[tilespmem:s24+$0x70] =	vst v0  }
0x1b: {  	[tilespmem:s24+$0x60] =	vst v0  }
0x1c: {  	[tilespmem:s24+$0x50] =	vst v0  }
0x1d: {  	[tilespmem:s24+$0x40] =	vst v0  }
0x1e: {  	[tilespmem:s24+$0x30] =	vst v0  }
0x1f: {  	[tilespmem:s24+$0x20] =	vst v0  }
0x20: {  	[tilespmem:s24+$0x10] =	vst v0  }
0x21: {  	[tilespmem:s24+$0x0] =	vst v0  }
0x22: {  	[tilespmem:s24+$0xFFFFFFF0] =	vst v0  }
0x23: {  	[tilespmem:s24+$0xFFFFFFE0] =	vst v0  }
0x24: {  	[tilespmem:s24+$0xFFFFFFD0] =	vst v0  }
0x25: {  	[tilespmem:s24+$0xFFFFFFC0] =	vst v0  }
0x26: {  	[tilespmem:s24+$0xFFFFFFB0] =	vst v0  }
0x27: {  	s25 =	simm.s32 $0x0;
	[tilespmem:s24+$0xFFFFFFA0] =	vst v0  }
.LBB2_2:
0x28: {  	s25 =	sadd.s32 $0x10, s25;
	[tilespmem:s24+$0xFFFFFF90] =	vst v0;
	s24 =	sadd.s32 $0x100, s24  }
0x29: {  	[tilespmem:s24+$0xFFFFFF80] =	vst v0;
	p0 =	slt.u32 s25, $0x1870  }
0x2a: {  	[tilespmem:s24+$0x70] =	vst v0  }
0x2b: {  	[tilespmem:s24+$0x60] =	vst v0  }
0x2c: {  	[tilespmem:s24+$0x50] =	vst v0  }
0x2d: {  	[tilespmem:s24+$0x40] =	vst v0  }
0x2e: {  	[tilespmem:s24+$0x30] =	vst v0  }
0x2f: {  	[tilespmem:s24+$0x20] =	vst v0  }
0x30: {  	[tilespmem:s24+$0x10] =	vst v0  }
0x31: {  	[tilespmem:s24+$0x0] =	vst v0  }
0x32: {  	[tilespmem:s24+$0xFFFFFFF0] =	vst v0  }
.Ltmp0:
0x33: {  	[tilespmem:s24+$0xFFFFFFE0] =	vst v0;
	(pc) =	sbr.rel @p0 .LBB2_2-.Ltmp0, $4  }
0x34: {  	[tilespmem:s24+$0xFFFFFFD0] =	vst v0  }
0x35: {  	[tilespmem:s24+$0xFFFFFFC0] =	vst v0  }
0x36: {  	[tilespmem:s24+$0xFFFFFFB0] =	vst v0  }
0x37: {  	[tilespmem:s24+$0xFFFFFFA0] =	vst v0  }
0x38: {  	[tilespmem:s24+$0xFFFFFF90] =	vst v0;
	s24 =	simm.s32 $0x0;
	s25 =	simm.s32 $0x0  }
.LBB2_4:
0x39: {  	s26 =	smul.u32 $0xFA0, s25;
	_ =	sdelay $0x1  }
0x3a: {  	s28 =	sadd.s32 s26, s8  }
0x3b: {  	s28 =	sshrl.u32 s28, $0x3  }
0x3c: {  	s29 =	sadd.s32 s1, s28  }
0x3d: {  	[tilespmem:s15], [sflag:$0x3] =	stream.linear.gather [hbm4b:s29+s24], $0x7D0, $0x38;
	[tilespmem:$0x1A880] =	vst v63  }
0x3e: {  	s28 =	sadd.s32 s2, s28  }
0x3f: {  	[tilespmem:s16], [sflag:$0x4] =	stream.linear.gather [hbm4b:s28+s24], $0x7D0, $0x38;
	[tilespmem:$0x1A880] =	vst v63  }
0x40: {  	_ =	swait.ge [sflag:s17], $0x7D0  }
0x41: {  	v2 =	vadd.s32 s24, v1;
	[sflag:s17] =	ssyncset.done $0x0  }
0x42: {  	s28 =	simm.s32 $0x8;
	[sflag:s17] =	ssyncadd.s32 $0xFFFFF830  }
0x43: {  	v4 =	vadd.s32 s28, v1;
	s28 =	simm.s32 $0x18;
	_ =	swait.ge [sflag:s18], $0x7D0  }
0x44: {  	s31 =	simm.s32 $0x16;
	v7 =	vadd.s32 s28, v1;
	[sflag:s18] =	ssyncset.done $0x0  }
0x45: {  	s3 =	simm.s32 $0x5;
	v8 =	vadd.s32 s31, v1;
	[sflag:s18] =	ssyncadd.s32 $0xFFFFF830  }
0x46: {  	v16 =	vadd.s32 s3, v1;
	v5 =	vld.idx.msk [tilespmem:v2+s12+$0x0], $0xffff  }
0x47: {  	s31 =	simm.s32 $0xC;
	v3 =	vld.idx.msk [tilespmem:v2+s13+$0x0], $0xffff  }
0x48: {  	v30 =	vadd.s32 s31, v1;
	v11 =	vld.idx.msk [tilespmem:v4+s13+$0x0], $0xffff  }
0x49: {  	v6 =	vld.idx.msk [tilespmem:v7+s13+$0x0], $0xffff  }
0x4a: {  	v13 =	vld.idx.msk [tilespmem:v8+s13+$0x0], $0xffff  }
0x4b: {  	v24 =	vld.idx.msk [tilespmem:v16+s13+$0x0], $0xffff  }
0x4c: {  	s28 =	simm.s32 $0xA;
	v28 =	vld.idx.msk [tilespmem:v4+s12+$0x0], $0xffff  }
0x4d: {  	v9 =	vadd.s32 s28, v1;
	v35 =	vld.idx.msk [tilespmem:v30+s12+$0x0], $0xffff  }
0x4e: {  	s28 =	simm.s32 $0x14;
	v30 =	vld.idx.msk [tilespmem:v30+s13+$0x0], $0xffff  }
0x4f: {  	v10 =	vadd.s32 s28, v1;
	v16 =	vld.idx.msk [tilespmem:v16+s12+$0x0], $0xffff  }
0x50: {  	s28 =	simm.s32 $0x3;
	v8 =	vld.idx.msk [tilespmem:v8+s12+$0x0], $0xffff  }
0x51: {  	v12 =	vadd.s32 s28, v1;
	v7 =	vld.idx.msk [tilespmem:v7+s12+$0x0], $0xffff  }
0x52: {  	s28 =	simm.s32 $0x6;
	v15 =	vld.idx.msk [tilespmem:v9+s13+$0x0], $0xffff  }
0x53: {  	v14 =	vadd.s32 s28, v1;
	v9 =	vld.idx.msk [tilespmem:v9+s12+$0x0], $0xffff  }
0x54: {  	s0 =	simm.s32 $0xF;
	v17 =	vld.idx.msk [tilespmem:v10+s12+$0x0], $0xffff  }
0x55: {  	v2 =	vadd.s32 s0, v1;
	v10 =	vld.idx.msk [tilespmem:v10+s13+$0x0], $0xffff  }
0x56: {  	s28 =	simm.s32 $0x7;
	v22 =	vld.idx.msk [tilespmem:v12+s13+$0x0], $0xffff  }
0x57: {  	v18 =	vadd.s32 s28, v1;
	v12 =	vld.idx.msk [tilespmem:v12+s12+$0x0], $0xffff  }
0x58: {  	s28 =	simm.s32 $0xB;
	v23 =	vld.idx.msk [tilespmem:v14+s13+$0x0], $0xffff  }
0x59: {  	v20 =	vadd.s32 s28, v1;
	v14 =	vld.idx.msk [tilespmem:v14+s12+$0x0], $0xffff  }
0x5a: {  	s28 =	simm.s32 $0x11;
	v19 =	vld.idx.msk [tilespmem:v2+s12+$0x0], $0xffff  }
0x5b: {  	v4 =	vadd.s32 s28, v1;
	v21 =	vld.idx.msk [tilespmem:v2+s13+$0x0], $0xffff  }
0x5c: {  	s28 =	simm.s32 $0x10;
	v25 =	vld.idx.msk [tilespmem:v18+s13+$0x0], $0xffff  }
0x5d: {  	v29 =	vadd.s32 s28, v1;
	v18 =	vld.idx.msk [tilespmem:v18+s12+$0x0], $0xffff  }
0x5e: {  	v26 =	vld.idx.msk [tilespmem:v20+s13+$0x0], $0xffff  }
0x5f: {  	v20 =	vld.idx.msk [tilespmem:v20+s12+$0x0], $0xffff  }
0x60: {  	v33 =	vld.idx.msk [tilespmem:v4+s13+$0x0], $0xffff  }
0x61: {  	v39 =	vld.idx.msk [tilespmem:v4+s12+$0x0], $0xffff  }
0x62: {  	v34 =	vld.idx.msk [tilespmem:v29+s13+$0x0], $0xffff  }
0x63: {  	v29 =	vld.idx.msk [tilespmem:v29+s12+$0x0], $0xffff  }
0x64: {  	s28 =	simm.s32 $0xD;
	v35 =	vld.idx.msk [tilespmem:v35+s5+$0x0], $0xffff  }
0x65: {  	v31 =	vadd.s32 s28, v1;
	v42 =	vld.idx.msk [tilespmem:v28+s5+$0x0], $0xffff  }
0x66: {  	s30 =	simm.s32 $0x9;
	v47 =	vld.idx.msk [tilespmem:v16+s5+$0x0], $0xffff  }
0x67: {  	v2 =	vadd.s32 s30, v1;
	v8 =	vld.idx.msk [tilespmem:v8+s5+$0x0], $0xffff  }
0x68: {  	v7 =	vld.idx.msk [tilespmem:v7+s5+$0x0], $0xffff  }
0x69: {  	s28 =	simm.s32 $0x2;
	v5 =	vld.idx.msk [tilespmem:v5+s5+$0x0], $0xffff  }
0x6a: {  	v36 =	vadd.s32 s28, v1;
	v37 =	vld.idx.msk [tilespmem:v31+s12+$0x0], $0xffff  }
0x6b: {  	s28 =	simm.s32 $0xE;
	v9 =	vld.idx.msk [tilespmem:v9+s5+$0x0], $0xffff  }
0x6c: {  	v38 =	vadd.s32 s28, v1;
	v27 =	vld.idx.msk [tilespmem:v2+s12+$0x0], $0xffff  }
0x6d: {  	v32 =	vld.idx.msk [tilespmem:v2+s13+$0x0], $0xffff  }
0x6e: {  	v2 =	vld.idx.msk [tilespmem:v31+s13+$0x0], $0xffff  }
0x6f: {  	s28 =	simm.s32 $0x4;
	v60 =	vld.idx.msk [tilespmem:v36+s13+$0x0], $0xffff  }
0x70: {  	v61 =	vadd.s32 s28, v1;
	v44 =	vld.idx.msk [tilespmem:v36+s12+$0x0], $0xffff  }
0x71: {  	v40 =	vld.idx.msk [tilespmem:v38+s12+$0x0], $0xffff  }
0x72: {  	v38 =	vld.idx.msk [tilespmem:v38+s13+$0x0], $0xffff  }
0x73: {  	s28 =	simm.s32 $0x1;
	v12 =	vld.idx.msk [tilespmem:v12+s5+$0x0], $0xffff  }
0x74: {  	v41 =	vadd.s32 s28, v1;
	v14 =	vld.idx.msk [tilespmem:v14+s5+$0x0], $0xffff  }
0x75: {  	v43 =	vld.idx.msk [tilespmem:v61+s13+$0x0], $0xffff  }
0x76: {  	v19 =	vld.idx.msk [tilespmem:v19+s5+$0x0], $0xffff  }
0x77: {  	v18 =	vld.idx.msk [tilespmem:v18+s5+$0x0], $0xffff  }
0x78: {  	[tilespmem:v30+s19+$0x0] =	vst.idx.add.f32.msk $0xffff, v35  }
0x79: {  	v46 =	vld.idx.msk [tilespmem:v41+s12+$0x0], $0xffff  }
0x7a: {  	s28 =	simm.s32 $0x12;
	[tilespmem:v11+s19+$0x0] =	vst.idx.add.f32.msk $0xffff, v42  }
0x7b: {  	v45 =	vadd.s32 s28, v1;
	[tilespmem:v24+s19+$0x0] =	vst.idx.add.f32.msk $0xffff, v47  }
0x7c: {  	[tilespmem:v13+s19+$0x0] =	vst.idx.add.f32.msk $0xffff, v8  }
0x7d: {  	[tilespmem:v6+s19+$0x0] =	vst.idx.add.f32.msk $0xffff, v7  }
0x7e: {  	s28 =	simm.s32 $0x13;
	[tilespmem:v3+s19+$0x0] =	vst.idx.add.f32.msk $0xffff, v5  }
0x7f: {  	v48 =	vadd.s32 s28, v1;
	v20 =	vld.idx.msk [tilespmem:v20+s5+$0x0], $0xffff  }
0x80: {  	s28 =	simm.s32 $0x15;
	v49 =	vld.idx.msk [tilespmem:v45+s12+$0x0], $0xffff  }
0x81: {  	v50 =	vadd.s32 s28, v1;
	v58 =	vld.idx.msk [tilespmem:v45+s13+$0x0], $0xffff  }
0x82: {  	[tilespmem:v15+s19+$0x0] =	vst.idx.add.f32.msk $0xffff, v9  }
0x83: {  	v63 =	vld.idx.msk [tilespmem:v39+s5+$0x0], $0xffff  }
0x84: {  	v52 =	vld.idx.msk [tilespmem:v48+s12+$0x0], $0xffff  }
0x85: {  	s28 =	simm.s32 $0x17;
	v55 =	vld.idx.msk [tilespmem:v48+s13+$0x0], $0xffff  }
0x86: {  	v59 =	vadd.s32 s28, v1;
	v53 =	vld.idx.msk [tilespmem:v50+s13+$0x0], $0xffff  }
0x87: {  	v54 =	vld.idx.msk [tilespmem:v50+s12+$0x0], $0xffff  }
0x88: {  	[tilespmem:v22+s19+$0x0] =	vst.idx.add.f32.msk $0xffff, v12  }
0x89: {  	v4 =	vld.idx.msk [tilespmem:v37+s5+$0x0], $0xffff  }
0x8a: {  	[tilespmem:v23+s19+$0x0] =	vst.idx.add.f32.msk $0xffff, v14  }
0x8b: {  	v12 =	vld.idx.msk [tilespmem:v59+s13+$0x0], $0xffff  }
0x8c: {  	v27 =	vld.idx.msk [tilespmem:v27+s5+$0x0], $0xffff  }
0x8d: {  	v51 =	vld.idx.msk [tilespmem:v44+s5+$0x0], $0xffff  }
0x8e: {  	[tilespmem:v25+s19+$0x0] =	vst.idx.add.f32.msk $0xffff, v18  }
0x8f: {  	[tilespmem:v21+s19+$0x0] =	vst.idx.add.f32.msk $0xffff, v19  }
0x90: {  	v62 =	vld.idx.msk [tilespmem:v40+s5+$0x0], $0xffff  }
0x91: {  	[tilespmem:v26+s19+$0x0] =	vst.idx.add.f32.msk $0xffff, v20  }
0x92: {  	v40 =	vld.idx.msk [tilespmem:v61+s12+$0x0], $0xffff  }
0x93: {  	v26 =	vld.idx.msk [tilespmem:v41+s13+$0x0], $0xffff  }
0x94: {  	v61 =	vld.idx.msk [tilespmem:v29+s5+$0x0], $0xffff  }
0x95: {  	[tilespmem:v33+s19+$0x0] =	vst.idx.add.f32.msk $0xffff, v63  }
0x96: {  	v63 =	vld.idx.msk [tilespmem:v17+s5+$0x0], $0xffff  }
0x97: {  	v56 =	vld.idx.msk [tilespmem:v46+s5+$0x0], $0xffff  }
0x98: {  	[tilespmem:v60+s19+$0x0] =	vst.idx.add.f32.msk $0xffff, v51  }
0x99: {  	v60 =	vld.idx.msk [tilespmem:v59+s12+$0x0], $0xffff  }
0x9a: {  	v57 =	vld.idx.msk [tilespmem:v49+s5+$0x0], $0xffff  }
0x9b: {  	[tilespmem:v32+s19+$0x0] =	vst.idx.add.f32.msk $0xffff, v27  }
0x9c: {  	[tilespmem:v38+s19+$0x0] =	vst.idx.add.f32.msk $0xffff, v62  }
0x9d: {  	v20 =	vld.idx.msk [tilespmem:v40+s5+$0x0], $0xffff  }
0x9e: {  	v23 =	vld.idx.msk [tilespmem:v54+s5+$0x0], $0xffff  }
0x9f: {  	[tilespmem:v34+s19+$0x0] =	vst.idx.add.f32.msk $0xffff, v61  }
0xa0: {  	[tilespmem:v10+s19+$0x0] =	vst.idx.add.f32.msk $0xffff, v63  }
0xa1: {  	v62 =	vld.idx.msk [tilespmem:v60+s5+$0x0], $0xffff  }
0xa2: {  	[tilespmem:v43+s19+$0x0] =	vst.idx.add.f32.msk $0xffff, v20  }
0xa3: {  	v20 =	vld.idx.msk [tilespmem:v52+s5+$0x0], $0xffff  }
0xa4: {  	[tilespmem:v26+s19+$0x0] =	vst.idx.add.f32.msk $0xffff, v56  }
0xa5: {  	[tilespmem:v58+s19+$0x0] =	vst.idx.add.f32.msk $0xffff, v57  }
0xa6: {  	[tilespmem:v53+s19+$0x0] =	vst.idx.add.f32.msk $0xffff, v23  }
0xa7: {  	[tilespmem:v12+s19+$0x0] =	vst.idx.add.f32.msk $0xffff, v62  }
0xa8: {  	s28 =	simm.s32 $0x19;
	[tilespmem:v55+s19+$0x0] =	vst.idx.add.f32.msk $0xffff, v20  }
.LBB2_5:
0xa9: {  	s30 =	sadd.s32 $0x1, s28  }
0xaa: {  	v3 =	vadd.s32 s28, v1;
	s31 =	sadd.s32 $0x8, s28;
	s3 =	sadd.s32 $0xF, s28;
	[tilespmem:v2+s19+$0x0] =	vst.idx.add.f32.msk $0xffff, v4;
	s29 =	smov.u32 s28  }
0xab: {  	v16 =	vadd.s32 s30, v1;
	s30 =	sadd.s32 $0x2, s28;
	v2 =	vadd.s32 s31, v1;
	s31 =	sadd.s32 $0xA, s28;
	v4 =	vadd.s32 s3, v1;
	s3 =	sadd.s32 $0x18, s28  }
0xac: {  	s0 =	sadd.s32 $0x16, s28;
	v19 =	vadd.s32 s30, v1;
	s30 =	sadd.s32 $0x3, s28;
	v11 =	vadd.s32 s31, v1;
	s31 =	sadd.s32 $0x14, s28;
	v8 =	vadd.s32 s3, v1  }
0xad: {  	p0 =	slt.u32 s28, $0x64;
	v12 =	vadd.s32 s0, v1;
	s3 =	sadd.s32 $0x4, s29;
	s28 =	sadd.s32 $0x19, s28;
	v18 =	vadd.s32 s30, v1;
	v7 =	vadd.s32 s31, v1  }
0xae: {  	s0 =	sadd.s32 $0x5, s29;
	v21 =	vadd.s32 s3, v1  }
0xaf: {  	v22 =	vadd.s32 s0, v1;
	s0 =	sadd.s32 $0x6, s29;
	v5 =	vld.idx.msk [tilespmem:v3+s12+$0x0], $0xffff  }
0xb0: {  	v23 =	vadd.s32 s0, v1;
	s0 =	sadd.s32 $0x7, s29;
	v3 =	vld.idx.msk [tilespmem:v3+s13+$0x0], $0xffff  }
0xb1: {  	v24 =	vadd.s32 s0, v1;
	v25 =	vld.idx.msk [tilespmem:v2+s13+$0x0], $0xffff  }
0xb2: {  	s0 =	sadd.s32 $0x9, s29;
	v6 =	vld.idx.msk [tilespmem:v8+s13+$0x0], $0xffff  }
0xb3: {  	v26 =	vadd.s32 s0, v1;
	v9 =	vld.idx.msk [tilespmem:v12+s13+$0x0], $0xffff  }
0xb4: {  	s0 =	sadd.s32 $0xB, s29;
	v13 =	vld.idx.msk [tilespmem:v11+s13+$0x0], $0xffff  }
0xb5: {  	v27 =	vadd.s32 s0, v1;
	s0 =	sadd.s32 $0xC, s29;
	v14 =	vld.idx.msk [tilespmem:v7+s12+$0x0], $0xffff  }
0xb6: {  	v28 =	vadd.s32 s0, v1;
	s0 =	sadd.s32 $0xD, s29;
	v15 =	vld.idx.msk [tilespmem:v4+s12+$0x0], $0xffff  }
0xb7: {  	v29 =	vadd.s32 s0, v1;
	s0 =	sadd.s32 $0xE, s29;
	v10 =	vld.idx.msk [tilespmem:v4+s13+$0x0], $0xffff  }
0xb8: {  	v4 =	vadd.s32 s0, v1;
	v20 =	vld.idx.msk [tilespmem:v18+s13+$0x0], $0xffff  }
0xb9: {  	v30 =	vld.idx.msk [tilespmem:v23+s13+$0x0], $0xffff  }
0xba: {  	v31 =	vld.idx.msk [tilespmem:v22+s13+$0x0], $0xffff  }
0xbb: {  	s0 =	sadd.s32 $0x10, s29;
	v17 =	vld.idx.msk [tilespmem:v24+s13+$0x0], $0xffff  }
0xbc: {  	v33 =	vadd.s32 s0, v1;
	v32 =	vld.idx.msk [tilespmem:v27+s13+$0x0], $0xffff  }
0xbd: {  	s0 =	sadd.s32 $0x11, s29;
	v34 =	vld.idx.msk [tilespmem:v26+s12+$0x0], $0xffff  }
0xbe: {  	v35 =	vld.idx.msk [tilespmem:v2+s12+$0x0], $0xffff;
	v2 =	vadd.s32 s0, v1  }
0xbf: {  	v15 =	vld.idx.msk [tilespmem:v15+s5+$0x0], $0xffff  }
0xc0: {  	v36 =	vld.idx.msk [tilespmem:v18+s12+$0x0], $0xffff  }
0xc1: {  	v24 =	vld.idx.msk [tilespmem:v24+s12+$0x0], $0xffff  }
0xc2: {  	v27 =	vld.idx.msk [tilespmem:v27+s12+$0x0], $0xffff  }
0xc3: {  	v26 =	vld.idx.msk [tilespmem:v26+s13+$0x0], $0xffff  }
0xc4: {  	v37 =	vld.idx.msk [tilespmem:v2+s13+$0x0], $0xffff  }
0xc5: {  	v34 =	vld.idx.msk [tilespmem:v34+s5+$0x0], $0xffff  }
0xc6: {  	v18 =	vld.idx.msk [tilespmem:v33+s13+$0x0], $0xffff  }
0xc7: {  	v38 =	vld.idx.msk [tilespmem:v28+s12+$0x0], $0xffff  }
0xc8: {  	v39 =	vld.idx.msk [tilespmem:v29+s12+$0x0], $0xffff  }
0xc9: {  	v28 =	vld.idx.msk [tilespmem:v28+s13+$0x0], $0xffff  }
0xca: {  	v33 =	vld.idx.msk [tilespmem:v33+s12+$0x0], $0xffff  }
0xcb: {  	v40 =	vld.idx.msk [tilespmem:v2+s12+$0x0], $0xffff  }
0xcc: {  	v2 =	vld.idx.msk [tilespmem:v29+s13+$0x0], $0xffff  }
0xcd: {  	v29 =	vld.idx.msk [tilespmem:v19+s13+$0x0], $0xffff  }
0xce: {  	v41 =	vld.idx.msk [tilespmem:v4+s12+$0x0], $0xffff  }
0xcf: {  	v38 =	vld.idx.msk [tilespmem:v38+s5+$0x0], $0xffff  }
0xd0: {  	v24 =	vld.idx.msk [tilespmem:v24+s5+$0x0], $0xffff  }
0xd1: {  	v42 =	vld.idx.msk [tilespmem:v4+s13+$0x0], $0xffff  }
0xd2: {  	v23 =	vld.idx.msk [tilespmem:v23+s12+$0x0], $0xffff  }
0xd3: {  	v27 =	vld.idx.msk [tilespmem:v27+s5+$0x0], $0xffff  }
0xd4: {  	v4 =	vld.idx.msk [tilespmem:v39+s5+$0x0], $0xffff  }
0xd5: {  	[tilespmem:v28+s19+$0x0] =	vst.idx.add.f32.msk $0xffff, v38  }
0xd6: {  	v28 =	vld.idx.msk [tilespmem:v41+s5+$0x0], $0xffff  }
0xd7: {  	v38 =	vld.idx.msk [tilespmem:v40+s5+$0x0], $0xffff  }
0xd8: {  	[tilespmem:v26+s19+$0x0] =	vst.idx.add.f32.msk $0xffff, v34  }
0xd9: {  	[tilespmem:v32+s19+$0x0] =	vst.idx.add.f32.msk $0xffff, v27  }
0xda: {  	v23 =	vld.idx.msk [tilespmem:v23+s5+$0x0], $0xffff  }
0xdb: {  	v26 =	vld.idx.msk [tilespmem:v21+s12+$0x0], $0xffff  }
0xdc: {  	[tilespmem:v42+s19+$0x0] =	vst.idx.add.f32.msk $0xffff, v28  }
0xdd: {  	[tilespmem:v37+s19+$0x0] =	vst.idx.add.f32.msk $0xffff, v38  }
0xde: {  	v22 =	vld.idx.msk [tilespmem:v22+s12+$0x0], $0xffff  }
0xdf: {  	v27 =	vld.idx.msk [tilespmem:v35+s5+$0x0], $0xffff  }
0xe0: {  	[tilespmem:v30+s19+$0x0] =	vst.idx.add.f32.msk $0xffff, v23  }
0xe1: {  	v21 =	vld.idx.msk [tilespmem:v21+s13+$0x0], $0xffff  }
0xe2: {  	s0 =	sadd.s32 $0x12, s29;
	v19 =	vld.idx.msk [tilespmem:v19+s12+$0x0], $0xffff  }
0xe3: {  	v23 =	vld.idx.msk [tilespmem:v26+s5+$0x0], $0xffff;
	v26 =	vadd.s32 s0, v1  }
0xe4: {  	v28 =	vld.idx.msk [tilespmem:v16+s12+$0x0], $0xffff  }
0xe5: {  	s0 =	sadd.s32 $0x13, s29;
	[tilespmem:v25+s19+$0x0] =	vst.idx.add.f32.msk $0xffff, v27  }
0xe6: {  	v25 =	vadd.s32 s0, v1;
	v22 =	vld.idx.msk [tilespmem:v22+s5+$0x0], $0xffff  }
0xe7: {  	s0 =	sadd.s32 $0x15, s29;
	v16 =	vld.idx.msk [tilespmem:v16+s13+$0x0], $0xffff  }
0xe8: {  	v30 =	vadd.s32 s0, v1;
	v27 =	vld.idx.msk [tilespmem:v26+s12+$0x0], $0xffff  }
0xe9: {  	[tilespmem:v21+s19+$0x0] =	vst.idx.add.f32.msk $0xffff, v23  }
0xea: {  	v19 =	vld.idx.msk [tilespmem:v19+s5+$0x0], $0xffff  }
0xeb: {  	v21 =	vld.idx.msk [tilespmem:v25+s12+$0x0], $0xffff  }
0xec: {  	[tilespmem:v31+s19+$0x0] =	vst.idx.add.f32.msk $0xffff, v22  }
0xed: {  	v22 =	vld.idx.msk [tilespmem:v30+s13+$0x0], $0xffff  }
0xee: {  	v23 =	vld.idx.msk [tilespmem:v30+s12+$0x0], $0xffff  }
0xef: {  	v30 =	vld.idx.msk [tilespmem:v36+s5+$0x0], $0xffff  }
0xf0: {  	[tilespmem:v29+s19+$0x0] =	vst.idx.add.f32.msk $0xffff, v19  }
0xf1: {  	v19 =	vld.idx.msk [tilespmem:v25+s13+$0x0], $0xffff  }
0xf2: {  	v25 =	vld.idx.msk [tilespmem:v28+s5+$0x0], $0xffff  }
0xf3: {  	v21 =	vld.idx.msk [tilespmem:v21+s5+$0x0], $0xffff  }
0xf4: {  	v27 =	vld.idx.msk [tilespmem:v27+s5+$0x0], $0xffff  }
0xf5: {  	v26 =	vld.idx.msk [tilespmem:v26+s13+$0x0], $0xffff  }
0xf6: {  	v23 =	vld.idx.msk [tilespmem:v23+s5+$0x0], $0xffff  }
0xf7: {  	[tilespmem:v20+s19+$0x0] =	vst.idx.add.f32.msk $0xffff, v30  }
0xf8: {  	v11 =	vld.idx.msk [tilespmem:v11+s12+$0x0], $0xffff  }
0xf9: {  	s0 =	sadd.s32 $0x17, s29;
	[tilespmem:v19+s19+$0x0] =	vst.idx.add.f32.msk $0xffff, v21  }
0xfa: {  	[tilespmem:v16+s19+$0x0] =	vst.idx.add.f32.msk $0xffff, v25;
	v16 =	vadd.s32 s0, v1  }
0xfb: {  	v12 =	vld.idx.msk [tilespmem:v12+s12+$0x0], $0xffff  }
0xfc: {  	[tilespmem:v22+s19+$0x0] =	vst.idx.add.f32.msk $0xffff, v23  }
0xfd: {  	[tilespmem:v26+s19+$0x0] =	vst.idx.add.f32.msk $0xffff, v27  }
0xfe: {  	v8 =	vld.idx.msk [tilespmem:v8+s12+$0x0], $0xffff  }
0xff: {  	v19 =	vld.idx.msk [tilespmem:v16+s12+$0x0], $0xffff  }
0x100: {  	v11 =	vld.idx.msk [tilespmem:v11+s5+$0x0], $0xffff  }
0x101: {  	v7 =	vld.idx.msk [tilespmem:v7+s13+$0x0], $0xffff  }
0x102: {  	[tilespmem:v17+s19+$0x0] =	vst.idx.add.f32.msk $0xffff, v24  }
0x103: {  	v12 =	vld.idx.msk [tilespmem:v12+s5+$0x0], $0xffff  }
0x104: {  	v17 =	vld.idx.msk [tilespmem:v33+s5+$0x0], $0xffff  }
0x105: {  	v16 =	vld.idx.msk [tilespmem:v16+s13+$0x0], $0xffff  }
0x106: {  	[tilespmem:v13+s19+$0x0] =	vst.idx.add.f32.msk $0xffff, v11  }
0x107: {  	v11 =	vld.idx.msk [tilespmem:v19+s5+$0x0], $0xffff  }
0x108: {  	v13 =	vld.idx.msk [tilespmem:v14+s5+$0x0], $0xffff  }
0x109: {  	[tilespmem:v9+s19+$0x0] =	vst.idx.add.f32.msk $0xffff, v12  }
0x10a: {  	v8 =	vld.idx.msk [tilespmem:v8+s5+$0x0], $0xffff  }
0x10b: {  	v5 =	vld.idx.msk [tilespmem:v5+s5+$0x0], $0xffff  }
0x10c: {  	[tilespmem:v18+s19+$0x0] =	vst.idx.add.f32.msk $0xffff, v17  }
.Ltmp1:
0x10d: {  	[tilespmem:v16+s19+$0x0] =	vst.idx.add.f32.msk $0xffff, v11;
	(pc) =	sbr.rel @p0 .LBB2_5-.Ltmp1, $4  }
0x10e: {  	[tilespmem:v7+s19+$0x0] =	vst.idx.add.f32.msk $0xffff, v13  }
0x10f: {  	[tilespmem:v10+s19+$0x0] =	vst.idx.add.f32.msk $0xffff, v15  }
0x110: {  	[tilespmem:v6+s19+$0x0] =	vst.idx.add.f32.msk $0xffff, v8  }
0x111: {  	[tilespmem:v3+s19+$0x0] =	vst.idx.add.f32.msk $0xffff, v5  }
0x112: {  	_ = 	snop  }
0x113: {  	p0 =	seq.s32 s25, $0x18  }
0x114: {  	s0 =	sadd.s32 @!p0 s26, s9  }
0x115: {  	s0 =	sshrl.u32 @!p0 s0, $0x3  }
0x116: {  	[tilespmem:v2+s19+$0x0] =	vst.idx.add.f32.msk $0xffff, v4;
	s26 =	simm.s32 @!p0 $0x0;
	s28 =	simm.s32 @!p0 $0x80;
	s3 =	sadd.s32 @!p0 s1, s0  }
0x117: {  	[tilespmem:s28], [sflag:$0x1] =	stream.linear.gather @!p0 [hbm4b:s3+s26], $0x7D0, $0x38;
	[tilespmem:$0x1A880] =	vst v63  }
0x118: {  	s0 =	sadd.s32 @!p0 s2, s0;
	s3 =	simm.s32 @!p0 $0x880  }
0x119: {  	[tilespmem:s3], [sflag:$0x2] =	stream.linear.gather @!p0 [hbm4b:s0+s26], $0x7D0, $0x38;
	[tilespmem:$0x1A880] =	vst v63  }
0x11a: {  	s31 =	simm.s32 $0x0;
	_ =	swait.ge [sflag:s20], $0x7D0  }
0x11b: {  	v2 =	vadd.s32 s31, v1;
	[sflag:s20] =	ssyncset.done $0x0  }
0x11c: {  	s3 =	simm.s32 $0x8;
	[sflag:s20] =	ssyncadd.s32 $0xFFFFF830  }
0x11d: {  	s26 =	simm.s32 $0x18;
	v4 =	vadd.s32 s3, v1;
	_ =	swait.ge [sflag:s21], $0x7D0  }
0x11e: {  	s28 =	simm.s32 $0x16;
	v7 =	vadd.s32 s26, v1;
	[sflag:s21] =	ssyncset.done $0x0  }
0x11f: {  	s29 =	simm.s32 $0xA;
	v8 =	vadd.s32 s28, v1;
	[sflag:s21] =	ssyncadd.s32 $0xFFFFF830  }
0x120: {  	s30 =	simm.s32 $0x14;
	v9 =	vadd.s32 s29, v1;
	v5 =	vld.idx.msk [tilespmem:v2+s15+$0x0], $0xffff  }
0x121: {  	v10 =	vadd.s32 s30, v1;
	s3 =	simm.s32 $0x3;
	v3 =	vld.idx.msk [tilespmem:v2+s16+$0x0], $0xffff  }
0x122: {  	s26 =	simm.s32 $0x6;
	v12 =	vadd.s32 s3, v1;
	v11 =	vld.idx.msk [tilespmem:v4+s16+$0x0], $0xffff  }
0x123: {  	s28 =	simm.s32 $0x5;
	v14 =	vadd.s32 s26, v1;
	v6 =	vld.idx.msk [tilespmem:v7+s16+$0x0], $0xffff  }
0x124: {  	s29 =	simm.s32 $0x7;
	v16 =	vadd.s32 s28, v1;
	v13 =	vld.idx.msk [tilespmem:v8+s16+$0x0], $0xffff  }
0x125: {  	s30 =	simm.s32 $0xB;
	v18 =	vadd.s32 s29, v1;
	v15 =	vld.idx.msk [tilespmem:v9+s16+$0x0], $0xffff  }
0x126: {  	v20 =	vadd.s32 s30, v1;
	v17 =	vld.idx.msk [tilespmem:v10+s15+$0x0], $0xffff  }
0x127: {  	v22 =	vld.idx.msk [tilespmem:v12+s16+$0x0], $0xffff  }
0x128: {  	v23 =	vld.idx.msk [tilespmem:v14+s16+$0x0], $0xffff  }
0x129: {  	v24 =	vld.idx.msk [tilespmem:v16+s16+$0x0], $0xffff  }
0x12a: {  	s28 =	simm.s32 $0xC;
	v25 =	vld.idx.msk [tilespmem:v18+s16+$0x0], $0xffff  }
0x12b: {  	s29 =	simm.s32 $0xD;
	v30 =	vadd.s32 s28, v1;
	v26 =	vld.idx.msk [tilespmem:v20+s16+$0x0], $0xffff  }
0x12c: {  	v31 =	vadd.s32 s29, v1;
	v28 =	vld.idx.msk [tilespmem:v4+s15+$0x0], $0xffff  }
0x12d: {  	s30 =	simm.s32 $0x2;
	v12 =	vld.idx.msk [tilespmem:v12+s15+$0x0], $0xffff  }
0x12e: {  	v36 =	vadd.s32 s30, v1;
	v18 =	vld.idx.msk [tilespmem:v18+s15+$0x0], $0xffff  }
0x12f: {  	v20 =	vld.idx.msk [tilespmem:v20+s15+$0x0], $0xffff  }
0x130: {  	v35 =	vld.idx.msk [tilespmem:v30+s15+$0x0], $0xffff  }
0x131: {  	s28 =	simm.s32 $0x12;
	v37 =	vld.idx.msk [tilespmem:v31+s15+$0x0], $0xffff  }
0x132: {  	s29 =	simm.s32 $0x13;
	v45 =	vadd.s32 s28, v1;
	v30 =	vld.idx.msk [tilespmem:v30+s16+$0x0], $0xffff  }
0x133: {  	s30 =	simm.s32 $0x15;
	v48 =	vadd.s32 s29, v1;
	v60 =	vld.idx.msk [tilespmem:v36+s16+$0x0], $0xffff  }
0x134: {  	v50 =	vadd.s32 s30, v1;
	v14 =	vld.idx.msk [tilespmem:v14+s15+$0x0], $0xffff  }
0x135: {  	v16 =	vld.idx.msk [tilespmem:v16+s15+$0x0], $0xffff  }
0x136: {  	v44 =	vld.idx.msk [tilespmem:v36+s15+$0x0], $0xffff  }
0x137: {  	v49 =	vld.idx.msk [tilespmem:v45+s15+$0x0], $0xffff  }
0x138: {  	v52 =	vld.idx.msk [tilespmem:v48+s15+$0x0], $0xffff  }
0x139: {  	v53 =	vld.idx.msk [tilespmem:v50+s16+$0x0], $0xffff  }
0x13a: {  	v54 =	vld.idx.msk [tilespmem:v50+s15+$0x0], $0xffff  }
0x13b: {  	s26 =	simm.s32 $0x10;
	v55 =	vld.idx.msk [tilespmem:v48+s16+$0x0], $0xffff  }
0x13c: {  	v29 =	vadd.s32 s26, v1;
	v58 =	vld.idx.msk [tilespmem:v45+s16+$0x0], $0xffff  }
0x13d: {  	s26 =	simm.s32 $0x1;
	v9 =	vld.idx.msk [tilespmem:v9+s15+$0x0], $0xffff  }
0x13e: {  	s31 =	simm.s32 $0xF;
	v41 =	vadd.s32 s26, v1;
	v8 =	vld.idx.msk [tilespmem:v8+s15+$0x0], $0xffff  }
0x13f: {  	v2 =	vadd.s32 s31, v1;
	v7 =	vld.idx.msk [tilespmem:v7+s15+$0x0], $0xffff  }
0x140: {  	s3 =	simm.s32 $0x11;
	v10 =	vld.idx.msk [tilespmem:v10+s16+$0x0], $0xffff  }
0x141: {  	v4 =	vadd.s32 s3, v1;
	v34 =	vld.idx.msk [tilespmem:v29+s16+$0x0], $0xffff  }
0x142: {  	s3 =	simm.s32 $0x4;
	v29 =	vld.idx.msk [tilespmem:v29+s15+$0x0], $0xffff  }
0x143: {  	v61 =	vadd.s32 s3, v1;
	v46 =	vld.idx.msk [tilespmem:v41+s15+$0x0], $0xffff  }
0x144: {  	v19 =	vld.idx.msk [tilespmem:v2+s15+$0x0], $0xffff  }
0x145: {  	v21 =	vld.idx.msk [tilespmem:v2+s16+$0x0], $0xffff  }
0x146: {  	v33 =	vld.idx.msk [tilespmem:v4+s16+$0x0], $0xffff  }
0x147: {  	v39 =	vld.idx.msk [tilespmem:v4+s15+$0x0], $0xffff  }
0x148: {  	v43 =	vld.idx.msk [tilespmem:v61+s16+$0x0], $0xffff  }
0x149: {  	v35 =	vld.idx.msk [tilespmem:v35+s5+$0x0], $0xffff  }
0x14a: {  	v18 =	vld.idx.msk [tilespmem:v18+s5+$0x0], $0xffff  }
0x14b: {  	v20 =	vld.idx.msk [tilespmem:v20+s5+$0x0], $0xffff  }
0x14c: {  	v4 =	vld.idx.msk [tilespmem:v37+s5+$0x0], $0xffff  }
0x14d: {  	v14 =	vld.idx.msk [tilespmem:v14+s5+$0x0], $0xffff  }
0x14e: {  	v42 =	vld.idx.msk [tilespmem:v28+s5+$0x0], $0xffff  }
0x14f: {  	v47 =	vld.idx.msk [tilespmem:v16+s5+$0x0], $0xffff  }
0x150: {  	v51 =	vld.idx.msk [tilespmem:v44+s5+$0x0], $0xffff  }
0x151: {  	s31 =	simm.s32 $0x9;
	v12 =	vld.idx.msk [tilespmem:v12+s5+$0x0], $0xffff  }
0x152: {  	v2 =	vadd.s32 s31, v1;
	v57 =	vld.idx.msk [tilespmem:v49+s5+$0x0], $0xffff  }
0x153: {  	v9 =	vld.idx.msk [tilespmem:v9+s5+$0x0], $0xffff  }
0x154: {  	v8 =	vld.idx.msk [tilespmem:v8+s5+$0x0], $0xffff  }
0x155: {  	s31 =	simm.s32 $0xE;
	v7 =	vld.idx.msk [tilespmem:v7+s5+$0x0], $0xffff  }
0x156: {  	v38 =	vadd.s32 s31, v1;
	v5 =	vld.idx.msk [tilespmem:v5+s5+$0x0], $0xffff  }
0x157: {  	v27 =	vld.idx.msk [tilespmem:v2+s15+$0x0], $0xffff  }
0x158: {  	v32 =	vld.idx.msk [tilespmem:v2+s16+$0x0], $0xffff  }
0x159: {  	v2 =	vld.idx.msk [tilespmem:v31+s16+$0x0], $0xffff  }
0x15a: {  	v56 =	vld.idx.msk [tilespmem:v46+s5+$0x0], $0xffff  }
0x15b: {  	v40 =	vld.idx.msk [tilespmem:v38+s15+$0x0], $0xffff  }
0x15c: {  	v38 =	vld.idx.msk [tilespmem:v38+s16+$0x0], $0xffff  }
0x15d: {  	v19 =	vld.idx.msk [tilespmem:v19+s5+$0x0], $0xffff  }
0x15e: {  	[tilespmem:v30+s19+$0x0] =	vst.idx.add.f32.msk $0xffff, v35  }
0x15f: {  	v63 =	vld.idx.msk [tilespmem:v39+s5+$0x0], $0xffff  }
0x160: {  	[tilespmem:v26+s19+$0x0] =	vst.idx.add.f32.msk $0xffff, v20  }
0x161: {  	[tilespmem:v23+s19+$0x0] =	vst.idx.add.f32.msk $0xffff, v14  }
0x162: {  	[tilespmem:v11+s19+$0x0] =	vst.idx.add.f32.msk $0xffff, v42  }
0x163: {  	s31 =	simm.s32 $0x17;
	v26 =	vld.idx.msk [tilespmem:v41+s16+$0x0], $0xffff  }
0x164: {  	v59 =	vadd.s32 s31, v1;
	[tilespmem:v24+s19+$0x0] =	vst.idx.add.f32.msk $0xffff, v47  }
0x165: {  	[tilespmem:v60+s19+$0x0] =	vst.idx.add.f32.msk $0xffff, v51  }
0x166: {  	v23 =	vld.idx.msk [tilespmem:v54+s5+$0x0], $0xffff  }
0x167: {  	[tilespmem:v22+s19+$0x0] =	vst.idx.add.f32.msk $0xffff, v12  }
0x168: {  	[tilespmem:v58+s19+$0x0] =	vst.idx.add.f32.msk $0xffff, v57  }
0x169: {  	v60 =	vld.idx.msk [tilespmem:v59+s15+$0x0], $0xffff  }
0x16a: {  	[tilespmem:v25+s19+$0x0] =	vst.idx.add.f32.msk $0xffff, v18  }
0x16b: {  	v12 =	vld.idx.msk [tilespmem:v59+s16+$0x0], $0xffff  }
0x16c: {  	[tilespmem:v15+s19+$0x0] =	vst.idx.add.f32.msk $0xffff, v9  }
0x16d: {  	[tilespmem:v13+s19+$0x0] =	vst.idx.add.f32.msk $0xffff, v8  }
0x16e: {  	v62 =	vld.idx.msk [tilespmem:v40+s5+$0x0], $0xffff  }
0x16f: {  	v40 =	vld.idx.msk [tilespmem:v61+s15+$0x0], $0xffff  }
0x170: {  	[tilespmem:v6+s19+$0x0] =	vst.idx.add.f32.msk $0xffff, v7  }
0x171: {  	[tilespmem:v3+s19+$0x0] =	vst.idx.add.f32.msk $0xffff, v5  }
0x172: {  	v27 =	vld.idx.msk [tilespmem:v27+s5+$0x0], $0xffff  }
0x173: {  	[tilespmem:v33+s19+$0x0] =	vst.idx.add.f32.msk $0xffff, v63  }
0x174: {  	[tilespmem:v53+s19+$0x0] =	vst.idx.add.f32.msk $0xffff, v23  }
0x175: {  	v63 =	vld.idx.msk [tilespmem:v17+s5+$0x0], $0xffff  }
0x176: {  	[tilespmem:v21+s19+$0x0] =	vst.idx.add.f32.msk $0xffff, v19  }
0x177: {  	v20 =	vld.idx.msk [tilespmem:v40+s5+$0x0], $0xffff  }
0x178: {  	v61 =	vld.idx.msk [tilespmem:v29+s5+$0x0], $0xffff  }
0x179: {  	[tilespmem:v26+s19+$0x0] =	vst.idx.add.f32.msk $0xffff, v56  }
0x17a: {  	[tilespmem:v38+s19+$0x0] =	vst.idx.add.f32.msk $0xffff, v62  }
0x17b: {  	v62 =	vld.idx.msk [tilespmem:v60+s5+$0x0], $0xffff  }
0x17c: {  	[tilespmem:v43+s19+$0x0] =	vst.idx.add.f32.msk $0xffff, v20  }
0x17d: {  	v20 =	vld.idx.msk [tilespmem:v52+s5+$0x0], $0xffff  }
0x17e: {  	[tilespmem:v32+s19+$0x0] =	vst.idx.add.f32.msk $0xffff, v27  }
0x17f: {  	[tilespmem:v10+s19+$0x0] =	vst.idx.add.f32.msk $0xffff, v63  }
0x180: {  	[tilespmem:v34+s19+$0x0] =	vst.idx.add.f32.msk $0xffff, v61  }
0x181: {  	[tilespmem:v12+s19+$0x0] =	vst.idx.add.f32.msk $0xffff, v62  }
0x182: {  	s26 =	simm.s32 $0x19;
	[tilespmem:v55+s19+$0x0] =	vst.idx.add.f32.msk $0xffff, v20  }
.LBB2_7:
0x183: {  	s0 =	sadd.s32 $0x1, s26  }
0x184: {  	v3 =	vadd.s32 s26, v1;
	s3 =	sadd.s32 $0x8, s26;
	s29 =	sadd.s32 $0xF, s26;
	[tilespmem:v2+s19+$0x0] =	vst.idx.add.f32.msk $0xffff, v4;
	s28 =	smov.u32 s26  }
0x185: {  	v16 =	vadd.s32 s0, v1;
	s0 =	sadd.s32 $0x2, s26;
	v2 =	vadd.s32 s3, v1;
	s3 =	sadd.s32 $0xA, s26;
	v4 =	vadd.s32 s29, v1;
	s29 =	sadd.s32 $0x18, s26  }
0x186: {  	s30 =	sadd.s32 $0x16, s26;
	v19 =	vadd.s32 s0, v1;
	s0 =	sadd.s32 $0x3, s26;
	v11 =	vadd.s32 s3, v1;
	s3 =	sadd.s32 $0x14, s26;
	v8 =	vadd.s32 s29, v1  }
0x187: {  	p0 =	slt.u32 s26, $0x64;
	v12 =	vadd.s32 s30, v1;
	s26 =	sadd.s32 $0x19, s26;
	v18 =	vadd.s32 s0, v1;
	s0 =	sadd.s32 $0x4, s28;
	v7 =	vadd.s32 s3, v1  }
0x188: {  	v21 =	vadd.s32 s0, v1;
	s0 =	sadd.s32 $0x5, s28  }
0x189: {  	v5 =	vld.idx.msk [tilespmem:v3+s15+$0x0], $0xffff;
	v22 =	vadd.s32 s0, v1;
	s0 =	sadd.s32 $0x6, s28  }
0x18a: {  	v3 =	vld.idx.msk [tilespmem:v3+s16+$0x0], $0xffff;
	v23 =	vadd.s32 s0, v1;
	s0 =	sadd.s32 $0x7, s28  }
0x18b: {  	v24 =	vadd.s32 s0, v1;
	v25 =	vld.idx.msk [tilespmem:v2+s16+$0x0], $0xffff  }
0x18c: {  	s0 =	sadd.s32 $0x9, s28;
	v6 =	vld.idx.msk [tilespmem:v8+s16+$0x0], $0xffff  }
0x18d: {  	v26 =	vadd.s32 s0, v1;
	v9 =	vld.idx.msk [tilespmem:v12+s16+$0x0], $0xffff  }
0x18e: {  	s0 =	sadd.s32 $0xB, s28;
	v13 =	vld.idx.msk [tilespmem:v11+s16+$0x0], $0xffff  }
0x18f: {  	v27 =	vadd.s32 s0, v1;
	s0 =	sadd.s32 $0xC, s28;
	v14 =	vld.idx.msk [tilespmem:v7+s15+$0x0], $0xffff  }
0x190: {  	v28 =	vadd.s32 s0, v1;
	s0 =	sadd.s32 $0xD, s28;
	v15 =	vld.idx.msk [tilespmem:v4+s15+$0x0], $0xffff  }
0x191: {  	v29 =	vadd.s32 s0, v1;
	s0 =	sadd.s32 $0xE, s28;
	v10 =	vld.idx.msk [tilespmem:v4+s16+$0x0], $0xffff  }
0x192: {  	v4 =	vadd.s32 s0, v1;
	v20 =	vld.idx.msk [tilespmem:v18+s16+$0x0], $0xffff  }
0x193: {  	v30 =	vld.idx.msk [tilespmem:v23+s16+$0x0], $0xffff  }
0x194: {  	v31 =	vld.idx.msk [tilespmem:v22+s16+$0x0], $0xffff  }
0x195: {  	s0 =	sadd.s32 $0x10, s28;
	v17 =	vld.idx.msk [tilespmem:v24+s16+$0x0], $0xffff  }
0x196: {  	v33 =	vadd.s32 s0, v1;
	v32 =	vld.idx.msk [tilespmem:v27+s16+$0x0], $0xffff  }
0x197: {  	s0 =	sadd.s32 $0x11, s28;
	v34 =	vld.idx.msk [tilespmem:v26+s15+$0x0], $0xffff  }
0x198: {  	v35 =	vld.idx.msk [tilespmem:v2+s15+$0x0], $0xffff;
	v2 =	vadd.s32 s0, v1  }
0x199: {  	v15 =	vld.idx.msk [tilespmem:v15+s5+$0x0], $0xffff  }
0x19a: {  	v36 =	vld.idx.msk [tilespmem:v18+s15+$0x0], $0xffff  }
0x19b: {  	v24 =	vld.idx.msk [tilespmem:v24+s15+$0x0], $0xffff  }
0x19c: {  	v27 =	vld.idx.msk [tilespmem:v27+s15+$0x0], $0xffff  }
0x19d: {  	v26 =	vld.idx.msk [tilespmem:v26+s16+$0x0], $0xffff  }
0x19e: {  	v37 =	vld.idx.msk [tilespmem:v2+s16+$0x0], $0xffff  }
0x19f: {  	v34 =	vld.idx.msk [tilespmem:v34+s5+$0x0], $0xffff  }
0x1a0: {  	v18 =	vld.idx.msk [tilespmem:v33+s16+$0x0], $0xffff  }
0x1a1: {  	v38 =	vld.idx.msk [tilespmem:v28+s15+$0x0], $0xffff  }
0x1a2: {  	v39 =	vld.idx.msk [tilespmem:v29+s15+$0x0], $0xffff  }
0x1a3: {  	v28 =	vld.idx.msk [tilespmem:v28+s16+$0x0], $0xffff  }
0x1a4: {  	v33 =	vld.idx.msk [tilespmem:v33+s15+$0x0], $0xffff  }
0x1a5: {  	v40 =	vld.idx.msk [tilespmem:v2+s15+$0x0], $0xffff  }
0x1a6: {  	v2 =	vld.idx.msk [tilespmem:v29+s16+$0x0], $0xffff  }
0x1a7: {  	v29 =	vld.idx.msk [tilespmem:v19+s16+$0x0], $0xffff  }
0x1a8: {  	v41 =	vld.idx.msk [tilespmem:v4+s15+$0x0], $0xffff  }
0x1a9: {  	v38 =	vld.idx.msk [tilespmem:v38+s5+$0x0], $0xffff  }
0x1aa: {  	v24 =	vld.idx.msk [tilespmem:v24+s5+$0x0], $0xffff  }
0x1ab: {  	v42 =	vld.idx.msk [tilespmem:v4+s16+$0x0], $0xffff  }
0x1ac: {  	v23 =	vld.idx.msk [tilespmem:v23+s15+$0x0], $0xffff  }
0x1ad: {  	v27 =	vld.idx.msk [tilespmem:v27+s5+$0x0], $0xffff  }
0x1ae: {  	v4 =	vld.idx.msk [tilespmem:v39+s5+$0x0], $0xffff  }
0x1af: {  	[tilespmem:v28+s19+$0x0] =	vst.idx.add.f32.msk $0xffff, v38  }
0x1b0: {  	v28 =	vld.idx.msk [tilespmem:v41+s5+$0x0], $0xffff  }
0x1b1: {  	v38 =	vld.idx.msk [tilespmem:v40+s5+$0x0], $0xffff  }
0x1b2: {  	[tilespmem:v26+s19+$0x0] =	vst.idx.add.f32.msk $0xffff, v34  }
0x1b3: {  	[tilespmem:v32+s19+$0x0] =	vst.idx.add.f32.msk $0xffff, v27  }
0x1b4: {  	v23 =	vld.idx.msk [tilespmem:v23+s5+$0x0], $0xffff  }
0x1b5: {  	v26 =	vld.idx.msk [tilespmem:v21+s15+$0x0], $0xffff  }
0x1b6: {  	[tilespmem:v42+s19+$0x0] =	vst.idx.add.f32.msk $0xffff, v28  }
0x1b7: {  	[tilespmem:v37+s19+$0x0] =	vst.idx.add.f32.msk $0xffff, v38  }
0x1b8: {  	v22 =	vld.idx.msk [tilespmem:v22+s15+$0x0], $0xffff  }
0x1b9: {  	v27 =	vld.idx.msk [tilespmem:v35+s5+$0x0], $0xffff  }
0x1ba: {  	[tilespmem:v30+s19+$0x0] =	vst.idx.add.f32.msk $0xffff, v23  }
0x1bb: {  	v21 =	vld.idx.msk [tilespmem:v21+s16+$0x0], $0xffff  }
0x1bc: {  	s0 =	sadd.s32 $0x12, s28;
	v19 =	vld.idx.msk [tilespmem:v19+s15+$0x0], $0xffff  }
0x1bd: {  	v23 =	vld.idx.msk [tilespmem:v26+s5+$0x0], $0xffff;
	v26 =	vadd.s32 s0, v1  }
0x1be: {  	v28 =	vld.idx.msk [tilespmem:v16+s15+$0x0], $0xffff  }
0x1bf: {  	s0 =	sadd.s32 $0x13, s28;
	[tilespmem:v25+s19+$0x0] =	vst.idx.add.f32.msk $0xffff, v27  }
0x1c0: {  	v25 =	vadd.s32 s0, v1;
	v22 =	vld.idx.msk [tilespmem:v22+s5+$0x0], $0xffff  }
0x1c1: {  	s0 =	sadd.s32 $0x15, s28;
	v16 =	vld.idx.msk [tilespmem:v16+s16+$0x0], $0xffff  }
0x1c2: {  	v30 =	vadd.s32 s0, v1;
	v27 =	vld.idx.msk [tilespmem:v26+s15+$0x0], $0xffff  }
0x1c3: {  	[tilespmem:v21+s19+$0x0] =	vst.idx.add.f32.msk $0xffff, v23  }
0x1c4: {  	v19 =	vld.idx.msk [tilespmem:v19+s5+$0x0], $0xffff  }
0x1c5: {  	v21 =	vld.idx.msk [tilespmem:v25+s15+$0x0], $0xffff  }
0x1c6: {  	[tilespmem:v31+s19+$0x0] =	vst.idx.add.f32.msk $0xffff, v22  }
0x1c7: {  	v22 =	vld.idx.msk [tilespmem:v30+s16+$0x0], $0xffff  }
0x1c8: {  	v23 =	vld.idx.msk [tilespmem:v30+s15+$0x0], $0xffff  }
0x1c9: {  	v30 =	vld.idx.msk [tilespmem:v36+s5+$0x0], $0xffff  }
0x1ca: {  	[tilespmem:v29+s19+$0x0] =	vst.idx.add.f32.msk $0xffff, v19  }
0x1cb: {  	v19 =	vld.idx.msk [tilespmem:v25+s16+$0x0], $0xffff  }
0x1cc: {  	v25 =	vld.idx.msk [tilespmem:v28+s5+$0x0], $0xffff  }
0x1cd: {  	v21 =	vld.idx.msk [tilespmem:v21+s5+$0x0], $0xffff  }
0x1ce: {  	v27 =	vld.idx.msk [tilespmem:v27+s5+$0x0], $0xffff  }
0x1cf: {  	v26 =	vld.idx.msk [tilespmem:v26+s16+$0x0], $0xffff  }
0x1d0: {  	v23 =	vld.idx.msk [tilespmem:v23+s5+$0x0], $0xffff  }
0x1d1: {  	[tilespmem:v20+s19+$0x0] =	vst.idx.add.f32.msk $0xffff, v30  }
0x1d2: {  	v11 =	vld.idx.msk [tilespmem:v11+s15+$0x0], $0xffff  }
0x1d3: {  	s0 =	sadd.s32 $0x17, s28;
	[tilespmem:v19+s19+$0x0] =	vst.idx.add.f32.msk $0xffff, v21  }
0x1d4: {  	[tilespmem:v16+s19+$0x0] =	vst.idx.add.f32.msk $0xffff, v25;
	v16 =	vadd.s32 s0, v1  }
0x1d5: {  	v12 =	vld.idx.msk [tilespmem:v12+s15+$0x0], $0xffff  }
0x1d6: {  	[tilespmem:v22+s19+$0x0] =	vst.idx.add.f32.msk $0xffff, v23  }
0x1d7: {  	[tilespmem:v26+s19+$0x0] =	vst.idx.add.f32.msk $0xffff, v27  }
0x1d8: {  	v8 =	vld.idx.msk [tilespmem:v8+s15+$0x0], $0xffff  }
0x1d9: {  	v19 =	vld.idx.msk [tilespmem:v16+s15+$0x0], $0xffff  }
0x1da: {  	v11 =	vld.idx.msk [tilespmem:v11+s5+$0x0], $0xffff  }
0x1db: {  	v7 =	vld.idx.msk [tilespmem:v7+s16+$0x0], $0xffff  }
0x1dc: {  	[tilespmem:v17+s19+$0x0] =	vst.idx.add.f32.msk $0xffff, v24  }
0x1dd: {  	v12 =	vld.idx.msk [tilespmem:v12+s5+$0x0], $0xffff  }
0x1de: {  	v17 =	vld.idx.msk [tilespmem:v33+s5+$0x0], $0xffff  }
0x1df: {  	v16 =	vld.idx.msk [tilespmem:v16+s16+$0x0], $0xffff  }
0x1e0: {  	[tilespmem:v13+s19+$0x0] =	vst.idx.add.f32.msk $0xffff, v11  }
0x1e1: {  	v11 =	vld.idx.msk [tilespmem:v19+s5+$0x0], $0xffff  }
0x1e2: {  	v13 =	vld.idx.msk [tilespmem:v14+s5+$0x0], $0xffff  }
0x1e3: {  	[tilespmem:v9+s19+$0x0] =	vst.idx.add.f32.msk $0xffff, v12  }
0x1e4: {  	v8 =	vld.idx.msk [tilespmem:v8+s5+$0x0], $0xffff  }
0x1e5: {  	v5 =	vld.idx.msk [tilespmem:v5+s5+$0x0], $0xffff  }
0x1e6: {  	[tilespmem:v18+s19+$0x0] =	vst.idx.add.f32.msk $0xffff, v17  }
.Ltmp2:
0x1e7: {  	[tilespmem:v16+s19+$0x0] =	vst.idx.add.f32.msk $0xffff, v11;
	(pc) =	sbr.rel @p0 .LBB2_7-.Ltmp2, $4  }
0x1e8: {  	[tilespmem:v7+s19+$0x0] =	vst.idx.add.f32.msk $0xffff, v13  }
0x1e9: {  	[tilespmem:v10+s19+$0x0] =	vst.idx.add.f32.msk $0xffff, v15  }
0x1ea: {  	[tilespmem:v6+s19+$0x0] =	vst.idx.add.f32.msk $0xffff, v8  }
0x1eb: {  	[tilespmem:v3+s19+$0x0] =	vst.idx.add.f32.msk $0xffff, v5  }
0x1ec: {  	s25 =	sadd.s32 $0x1, s25  }
0x1ed: {  	p0 =	sne.s32 s25, $0x19  }
.Ltmp3:
0x1ee: {  	_ = 	snop;
	(pc) =	sbr.rel @p0 .LBB2_4-.Ltmp3, $2  }
0x1ef: {  	_ =	sdelay $0x2  }
0x1f0: {  	[tilespmem:v2+s19+$0x0] =	vst.idx.add.f32.msk $0xffff, v4  }
0x1f1: {  	s23 =	sadd.s32 $0x1, s23  }
0x1f2: {  	p0 =	sne.s32 s23, s11  }
.Ltmp4:
0x1f3: {  	_ = 	snop;
	(pc) =	sbr.rel @p0 .LBB2_1-.Ltmp4, $4  }
0x1f4: {  	[hbm4b:s10+s12] =	stream.strided.scatter [tilespmem:s19], [sflag:$0x5], $0x18800, s22, s12, $0x38;
	[tilespmem:$0x1A880] =	vst v63  }
0x1f5: {  	_ =	swait.ge [sflag:s14], $0x18800  }
0x1f6: {  	[sflag:s14] =	ssyncset.done $0x0  }
0x1f7: {  	[sflag:s14] =	ssyncadd.s32 $0xFFFE7800  }
0x1f8: {  	_ =	sfence.sel $0x180000  }
0x1f9: {  	[bflag:$0x0] =	sbarrier.arrive $0xFFFF  }
0x1fa: {  	_ =	strace $0x90000047  }
0x1fb: {  	s0 =	stileid.u32;
	[bflag:$0x2] =	sbarrier.arrive $0xFFFF  }
0x1fc: {  	p0 =	sne.s32 s0, $0x0;
	s0 =	rddreg [dreg:$0x4]  }
0x1fd: {  	s0 =	sadd.s32 @!p0 $0x100000, s0  }
0x1fe: {  	[sflag:s0] =	ssyncadd.tile.s32 @!p0 $0x1;
	_ =	shalt  }
.Lfunc_end2:
_tile_overlayer_lowered:
.L_overlay_start_2:
0x1ff: {  	(tag) =	ssettag $0x2  }
0x200: {  	s0 =	rddreg [dreg:$0x0];
	s2 =	stileid.u32  }
0x201: {  	s1 =	rddreg [dreg:$0x1];
	p0 =	sne.s32 s2, $0x0  }
0x202: {  	s3 =	rddreg [dreg:$0x2];
	[bflag:$0x3] =	sbarrier.arrive $0xFFFF;
	s2 =	simm.s32 @!p0 $0x1C05  }
0x203: {  	[timem:s3], [sflag:s2] =	dma.local @!p0 [hbm:s0], s1  }
0x204: {  	s0 =	simm.s32 @!p0 $0x5  }
0x205: {  	_ =	swait.ge @!p0 [sflag:s0], s1  }
0x206: {  	s1 =	ssub.s32 @!p0 $0x0, s1;
	[sflag:s0] =	ssyncset.done @!p0 $0x0  }
0x207: {  	[sflag:s0] =	ssyncadd.s32 @!p0 s1  }
0x208: {  	[bflag:$0x3] =	sbarrier.arrive $0xFFFF  }
0x209: {  	_ =	shalt  }

</sc_bundles>
